<compile_context>
chip_gen: v7x
topology: tpu7x:2x2x1
jax: 0.10.2.dev20260603
libtpu: 0.0.44.dev20260713+nightly
codegen_flags: <defaults>
</compile_context>

<pallas_src>
import functools

import jax
import jax.numpy as jnp
from jax import lax
from jax.experimental import pallas as pl
from jax.experimental.pallas import tpu as pltpu
from jax.experimental.pallas import tpu_sc as plsc

D = 128
NC, NS = 2, 16
NW = NC * NS
CH = 128
NCH = 50
NBUF = 5


def _make_gather(nch, nb):
    mesh = plsc.VectorSubcoreMesh(core_axis_name="c", subcore_axis_name="s")

    @functools.partial(
        pl.kernel,
        out_type=jax.ShapeDtypeStruct((nch, nb, D), jnp.float32),
        mesh=mesh,
        scratch_types=[
            pltpu.VMEM((nch, CH), jnp.int32),
            pltpu.VMEM((NBUF, CH, D), jnp.float32),
        ]
        + [pltpu.SemaphoreType.DMA] * (2 * NBUF),
    )
    def _gather(idx_hbm, table_hbm, out_hbm, idx_v, rows_v, *sems):
        gsem, wsem = sems[:NBUF], sems[NBUF:]
        wid = lax.axis_index("s") * NC + lax.axis_index("c")
        pltpu.sync_copy(idx_hbm.at[:, wid], idx_v)

        def fire_gather(s, b):
            pltpu.async_copy(table_hbm.at[idx_v.at[s]], rows_v.at[b], gsem[b])

        def drain_gather(b):
            pltpu.make_async_copy(
                table_hbm.at[idx_v.at[0]], rows_v.at[b], gsem[b]
            ).wait()

        def fire_write(s, b):
            pltpu.async_copy(
                rows_v.at[b], out_hbm.at[s, pl.ds(wid * CH, CH)], wsem[b]
            )

        def drain_write(b):
            pltpu.make_async_copy(
                rows_v.at[b], out_hbm.at[0, pl.ds(0, CH)], wsem[b]
            ).wait()

        for b in range(3):
            fire_gather(b, b)

        def outer(o, carry):
            for bi in range(NBUF):
                s = o * NBUF + bi
                bw = (bi - 2) % NBUF
                bg = (bi + 3) % NBUF

                @pl.when(s >= 2)
                def _drain_old_write():
                    drain_write(bw)

                @pl.when(s + 3 < nch)
                def _refill():
                    fire_gather(s + 3, bg)

                drain_gather(bi)
                fire_write(s, bi)
            return carry

        lax.fori_loop(0, nch // NBUF, outer, 0)
        drain_write((nch - 2) % NBUF)
        drain_write((nch - 1) % NBUF)

    return _gather


_GATHER = _make_gather(NCH, 4096)


def kernel(x, table):
    b, h = x.shape
    assert h == NCH and b == NW * CH
    idx = jnp.swapaxes(x, 0, 1).astype(jnp.int32).reshape(h, NW, CH)
    out = _GATHER(idx, table)
    return jnp.swapaxes(out, 0, 1)

# --- scband reference (transcript-rebuilt; emitter-appended) ---
"""Pipeline reference for scband-embedding-60112362275368 (READ-ONLY COPY).

The authoritative reference and input builder live on the scoring server;
editing this copy changes nothing except your own understanding.
"""

import jax, jax.numpy as jnp
import numpy as np

VOCAB = 100000
EMBED_DIM = 128
BATCH = 4096
HIST = 50

def setup_inputs(seed: int = 0) -> dict:
    key = jax.random.key(seed)
    k_idx, k_tab = jax.random.split(key)
    x = jax.random.randint(k_idx, (BATCH, HIST), 0, VOCAB, dtype=jnp.int64)
    table = jax.random.normal(k_tab, (VOCAB, EMBED_DIM), dtype=jnp.float32)
    return {"x": x, "table": table}

def reference(x, table):
    # nn.Embedding forward: pure row gather from the weight table
    out = jnp.take(table, x, axis=0)  # [BATCH, HIST, EMBED_DIM]
    return out

if __name__ == "__main__":
    import jax
    _d = setup_inputs()
    print(jax.jit(kernel)(*tuple(_d.values())))

</pallas_src>

<mosaic_0001>
#map = affine_map<(d0, d1) -> (0, 0, 0)>
#map1 = affine_map<(d0, d1) -> (0, 0)>
module attributes {stable_mosaic.version = 14 : i64} {
  func.func @_gather(%arg0: i32, %arg1: i32, %arg2: memref<50x32x128xi32, #tpu.memory_space<hbm>>, %arg3: memref<100000x128xf32, #tpu.memory_space<hbm>>, %arg4: memref<50x4096x128xf32, #tpu.memory_space<hbm>>, %arg5: memref<50x128xi32, #tpu.memory_space<vmem>>, %arg6: memref<5x128x128xf32, #tpu.memory_space<vmem>>, %arg7: memref<!tpu.dma_semaphore, #tpu.memory_space<semaphore_mem>>, %arg8: memref<!tpu.dma_semaphore, #tpu.memory_space<semaphore_mem>>, %arg9: memref<!tpu.dma_semaphore, #tpu.memory_space<semaphore_mem>>, %arg10: memref<!tpu.dma_semaphore, #tpu.memory_space<semaphore_mem>>, %arg11: memref<!tpu.dma_semaphore, #tpu.memory_space<semaphore_mem>>, %arg12: memref<!tpu.dma_semaphore, #tpu.memory_space<semaphore_mem>>, %arg13: memref<!tpu.dma_semaphore, #tpu.memory_space<semaphore_mem>>, %arg14: memref<!tpu.dma_semaphore, #tpu.memory_space<semaphore_mem>>, %arg15: memref<!tpu.dma_semaphore, #tpu.memory_space<semaphore_mem>>, %arg16: memref<!tpu.dma_semaphore, #tpu.memory_space<semaphore_mem>>) attributes {dimension_semantics = [#tpu.dimension_semantics<core_parallel>, #tpu.dimension_semantics<subcore_parallel>], iteration_bounds = array<i64: 2, 16>, scalar_prefetch = 0 : i64, scratch_operands = 12 : i64, tpu.core_type = #tpu.core_type<sc_vector_subcore>, window_params = [{transform_indices = #map}, {transform_indices = #map1}, {transform_indices = #map}]} {
    %mul3A = arith.constant 2 : i32
    %mul3A_0 = arith.muli %arg1, %mul3A : i32
    %add3A = arith.addi %mul3A_0, %arg0 : i32
    "tpu.region"() ({
      %run_scoped3A = tpu.sem_alloc : memref<!tpu.dma_semaphore, #tpu.memory_space<semaphore_mem>>
      %dma_start3A_76 = arith.constant 0 : i32
      %dma_start3A_77 = arith.constant 0 : i32
      %dma_start3A_78 = tpu.memref_slice %arg2[%dma_start3A_76, %add3A, %dma_start3A_77] : memref<50x32x128xi32, #tpu.memory_space<hbm>> -> memref<50x1x128xi32, #tpu.memory_space<hbm>>
      %dma_start3A_79 = tpu.memref_squeeze %dma_start3A_78 : memref<50x1x128xi32, #tpu.memory_space<hbm>> -> memref<50x128xi32, #tpu.memory_space<hbm>>
      %dma_start3A_80 = arith.constant 0 : i32
      %dma_start3A_81 = arith.constant 0 : i32
      %dma_start3A_82 = tpu.memref_slice %arg2[%dma_start3A_80, %add3A, %dma_start3A_81] : memref<50x32x128xi32, #tpu.memory_space<hbm>> -> memref<50x1x128xi32, #tpu.memory_space<hbm>>
      %dma_start3A_83 = tpu.memref_squeeze %dma_start3A_82 : memref<50x1x128xi32, #tpu.memory_space<hbm>> -> memref<50x128xi32, #tpu.memory_space<hbm>>
      tpu.enqueue_dma source(%dma_start3A_83 : memref<50x128xi32, #tpu.memory_space<hbm>>) target(%arg5 : memref<50x128xi32, #tpu.memory_space<vmem>>) target_semaphore(%run_scoped3A : memref<!tpu.dma_semaphore, #tpu.memory_space<semaphore_mem>>)
      %dma_wait3A_84 = arith.constant 0 : i32
      %dma_wait3A_85 = arith.constant 0 : i32
      %dma_wait3A_86 = tpu.memref_slice %arg2[%dma_wait3A_84, %add3A, %dma_wait3A_85] : memref<50x32x128xi32, #tpu.memory_space<hbm>> -> memref<50x1x128xi32, #tpu.memory_space<hbm>>
      %dma_wait3A_87 = tpu.memref_squeeze %dma_wait3A_86 : memref<50x1x128xi32, #tpu.memory_space<hbm>> -> memref<50x128xi32, #tpu.memory_space<hbm>>
      %dma_wait3A_88 = arith.constant 0 : i32
      %dma_wait3A_89 = arith.constant 0 : i32
      %dma_wait3A_90 = tpu.memref_slice %arg2[%dma_wait3A_88, %add3A, %dma_wait3A_89] : memref<50x32x128xi32, #tpu.memory_space<hbm>> -> memref<50x1x128xi32, #tpu.memory_space<hbm>>
      %dma_wait3A_91 = tpu.memref_squeeze %dma_wait3A_90 : memref<50x1x128xi32, #tpu.memory_space<hbm>> -> memref<50x128xi32, #tpu.memory_space<hbm>>
      tpu.wait_dma2 semaphore(%run_scoped3A : memref<!tpu.dma_semaphore, #tpu.memory_space<semaphore_mem>>) src(%dma_wait3A_91 : memref<50x128xi32, #tpu.memory_space<hbm>>) dst(%arg5 : memref<50x128xi32, #tpu.memory_space<vmem>>)
      tpu.yield
    }) : () -> ()
    %dma_start3A = arith.constant 0 : i32
    %dma_start3A_1 = arith.constant 0 : i32
    %dma_start3A_2 = arith.constant 0 : i32
    %dma_start3A_3 = arith.constant 0 : i32
    %dma_start3A_4 = tpu.memref_slice %arg6[%dma_start3A_1, %dma_start3A_2, %dma_start3A_3] : memref<5x128x128xf32, #tpu.memory_space<vmem>> -> memref<1x128x128xf32, #tpu.memory_space<vmem>>
    %dma_start3A_5 = tpu.memref_squeeze %dma_start3A_4 : memref<1x128x128xf32, #tpu.memory_space<vmem>> -> memref<128x128xf32, #tpu.memory_space<vmem>>
    %dma_start3A_6 = arith.constant 0 : i32
    %dma_start3A_7 = tpu.memref_slice %arg5[%dma_start3A, %dma_start3A_6] : memref<50x128xi32, #tpu.memory_space<vmem>> -> memref<1x128xi32, #tpu.memory_space<vmem>>
    %dma_start3A_8 = tpu.memref_squeeze %dma_start3A_7 : memref<1x128xi32, #tpu.memory_space<vmem>> -> memref<128xi32, #tpu.memory_space<vmem>>
    %dma_start3A_9 = arith.constant 0 : i32
    %dma_start3A_10 = arith.constant 0 : i32
    %dma_start3A_11 = tpu.memref_slice %arg3[%dma_start3A_9, %dma_start3A_10] : memref<100000x128xf32, #tpu.memory_space<hbm>> -> memref<100000x128xf32, #tpu.memory_space<hbm>>
    tpu.enqueue_indirect_dma source(%dma_start3A_11 : memref<100000x128xf32, #tpu.memory_space<hbm>>) target(%dma_start3A_5 : memref<128x128xf32, #tpu.memory_space<vmem>>) offsets(%dma_start3A_8 : memref<128xi32, #tpu.memory_space<vmem>>) semaphore(%arg7 : memref<!tpu.dma_semaphore, #tpu.memory_space<semaphore_mem>>)
    %dma_start3A_12 = arith.constant 1 : i32
    %dma_start3A_13 = arith.constant 1 : i32
    %dma_start3A_14 = arith.constant 0 : i32
    %dma_start3A_15 = arith.constant 0 : i32
    %dma_start3A_16 = tpu.memref_slice %arg6[%dma_start3A_13, %dma_start3A_14, %dma_start3A_15] : memref<5x128x128xf32, #tpu.memory_space<vmem>> -> memref<1x128x128xf32, #tpu.memory_space<vmem>>
    %dma_start3A_17 = tpu.memref_squeeze %dma_start3A_16 : memref<1x128x128xf32, #tpu.memory_space<vmem>> -> memref<128x128xf32, #tpu.memory_space<vmem>>
    %dma_start3A_18 = arith.constant 0 : i32
    %dma_start3A_19 = tpu.memref_slice %arg5[%dma_start3A_12, %dma_start3A_18] : memref<50x128xi32, #tpu.memory_space<vmem>> -> memref<1x128xi32, #tpu.memory_space<vmem>>
    %dma_start3A_20 = tpu.memref_squeeze %dma_start3A_19 : memref<1x128xi32, #tpu.memory_space<vmem>> -> memref<128xi32, #tpu.memory_space<vmem>>
    %dma_start3A_21 = arith.constant 0 : i32
    %dma_start3A_22 = arith.constant 0 : i32
    %dma_start3A_23 = tpu.memref_slice %arg3[%dma_start3A_21, %dma_start3A_22] : memref<100000x128xf32, #tpu.memory_space<hbm>> -> memref<100000x128xf32, #tpu.memory_space<hbm>>
    tpu.enqueue_indirect_dma source(%dma_start3A_23 : memref<100000x128xf32, #tpu.memory_space<hbm>>) target(%dma_start3A_17 : memref<128x128xf32, #tpu.memory_space<vmem>>) offsets(%dma_start3A_20 : memref<128xi32, #tpu.memory_space<vmem>>) semaphore(%arg8 : memref<!tpu.dma_semaphore, #tpu.memory_space<semaphore_mem>>)
    %dma_start3A_24 = arith.constant 2 : i32
    %dma_start3A_25 = arith.constant 2 : i32
    %dma_start3A_26 = arith.constant 0 : i32
    %dma_start3A_27 = arith.constant 0 : i32
    %dma_start3A_28 = tpu.memref_slice %arg6[%dma_start3A_25, %dma_start3A_26, %dma_start3A_27] : memref<5x128x128xf32, #tpu.memory_space<vmem>> -> memref<1x128x128xf32, #tpu.memory_space<vmem>>
    %dma_start3A_29 = tpu.memref_squeeze %dma_start3A_28 : memref<1x128x128xf32, #tpu.memory_space<vmem>> -> memref<128x128xf32, #tpu.memory_space<vmem>>
    %dma_start3A_30 = arith.constant 0 : i32
    %dma_start3A_31 = tpu.memref_slice %arg5[%dma_start3A_24, %dma_start3A_30] : memref<50x128xi32, #tpu.memory_space<vmem>> -> memref<1x128xi32, #tpu.memory_space<vmem>>
    %dma_start3A_32 = tpu.memref_squeeze %dma_start3A_31 : memref<1x128xi32, #tpu.memory_space<vmem>> -> memref<128xi32, #tpu.memory_space<vmem>>
    %dma_start3A_33 = arith.constant 0 : i32
    %dma_start3A_34 = arith.constant 0 : i32
    %dma_start3A_35 = tpu.memref_slice %arg3[%dma_start3A_33, %dma_start3A_34] : memref<100000x128xf32, #tpu.memory_space<hbm>> -> memref<100000x128xf32, #tpu.memory_space<hbm>>
    tpu.enqueue_indirect_dma source(%dma_start3A_35 : memref<100000x128xf32, #tpu.memory_space<hbm>>) target(%dma_start3A_29 : memref<128x128xf32, #tpu.memory_space<vmem>>) offsets(%dma_start3A_32 : memref<128xi32, #tpu.memory_space<vmem>>) semaphore(%arg9 : memref<!tpu.dma_semaphore, #tpu.memory_space<semaphore_mem>>)
    %scan3A = arith.constant 0 : i32
    %scan3A_36 = arith.constant 0 : i32
    %scan3A_37 = arith.constant 10 : i32
    %scan3A_38 = arith.addi %scan3A_36, %scan3A_37 : i32
    %scan3A_39 = arith.constant 1 : i32
    scf.for %scan3A_76 = %scan3A_36 to %scan3A_38 step %scan3A_39  : i32 {
      %mul3A_77 = arith.constant 5 : i32
      %mul3A_78 = arith.muli %scan3A_76, %mul3A_77 : i32
      %add3A_79 = arith.constant 0 : i32
      %add3A_80 = arith.addi %mul3A_78, %add3A_79 : i32
      %ge3A = arith.constant 2 : i32
      %ge3A_81 = arith.cmpi sge, %add3A_80, %ge3A : i32
      %convert_element_type3A = arith.extui %ge3A_81 : i1 to i32
      %cond3A = arith.constant 0 : i32
      %cond3A_82 = arith.cmpi ne, %convert_element_type3A, %cond3A : i32
      scf.if %cond3A_82 {
        %dma_wait3A_298 = arith.constant 3 : i32
        %dma_wait3A_299 = arith.constant 0 : i32
        %dma_wait3A_300 = arith.constant 0 : i32
        %dma_wait3A_301 = arith.constant 0 : i32
        %dma_wait3A_302 = tpu.memref_slice %arg6[%dma_wait3A_298, %dma_wait3A_300, %dma_wait3A_301] : memref<5x128x128xf32, #tpu.memory_space<vmem>> -> memref<1x128x128xf32, #tpu.memory_space<vmem>>
        %dma_wait3A_303 = tpu.memref_squeeze %dma_wait3A_302 : memref<1x128x128xf32, #tpu.memory_space<vmem>> -> memref<128x128xf32, #tpu.memory_space<vmem>>
        %dma_wait3A_304 = arith.constant 0 : i32
        %dma_wait3A_305 = arith.constant 0 : i32
        %dma_wait3A_306 = tpu.memref_slice %arg4[%dma_wait3A_299, %dma_wait3A_304, %dma_wait3A_305] : memref<50x4096x128xf32, #tpu.memory_space<hbm>> -> memref<1x128x128xf32, #tpu.memory_space<hbm>>
        %dma_wait3A_307 = tpu.memref_squeeze %dma_wait3A_306 : memref<1x128x128xf32, #tpu.memory_space<hbm>> -> memref<128x128xf32, #tpu.memory_space<hbm>>
        %dma_wait3A_308 = arith.constant 0 : i32
        %dma_wait3A_309 = arith.constant 0 : i32
        %dma_wait3A_310 = tpu.memref_slice %arg4[%dma_wait3A_299, %dma_wait3A_308, %dma_wait3A_309] : memref<50x4096x128xf32, #tpu.memory_space<hbm>> -> memref<1x128x128xf32, #tpu.memory_space<hbm>>
        %dma_wait3A_311 = tpu.memref_squeeze %dma_wait3A_310 : memref<1x128x128xf32, #tpu.memory_space<hbm>> -> memref<128x128xf32, #tpu.memory_space<hbm>>
        %dma_wait3A_312 = arith.constant 0 : i32
        %dma_wait3A_313 = arith.constant 0 : i32
        %dma_wait3A_314 = tpu.memref_slice %arg6[%dma_wait3A_298, %dma_wait3A_312, %dma_wait3A_313] : memref<5x128x128xf32, #tpu.memory_space<vmem>> -> memref<1x128x128xf32, #tpu.memory_space<vmem>>
        %dma_wait3A_315 = tpu.memref_squeeze %dma_wait3A_314 : memref<1x128x128xf32, #tpu.memory_space<vmem>> -> memref<128x128xf32, #tpu.memory_space<vmem>>
        tpu.wait_dma2 semaphore(%arg15 : memref<!tpu.dma_semaphore, #tpu.memory_space<semaphore_mem>>) src(%dma_wait3A_315 : memref<128x128xf32, #tpu.memory_space<vmem>>) dst(%dma_wait3A_311 : memref<128x128xf32, #tpu.memory_space<hbm>>)
      } else {
      }
      %add3A_83 = arith.constant 3 : i32
      %add3A_84 = arith.addi %add3A_80, %add3A_83 : i32
      %lt3A = arith.constant 50 : i32
      %lt3A_85 = arith.cmpi slt, %add3A_84, %lt3A : i32
      %convert_element_type3A_86 = arith.extui %lt3A_85 : i1 to i32
      %cond3A_87 = arith.constant 0 : i32
      %cond3A_88 = arith.cmpi ne, %convert_element_type3A_86, %cond3A_87 : i32
      scf.if %cond3A_88 {
        %add3A_298 = arith.constant 3 : i32
        %add3A_299 = arith.addi %add3A_80, %add3A_298 : i32
        %dma_start3A_300 = arith.constant 3 : i32
        %dma_start3A_301 = arith.constant 0 : i32
        %dma_start3A_302 = arith.constant 0 : i32
        %dma_start3A_303 = tpu.memref_slice %arg6[%dma_start3A_300, %dma_start3A_301, %dma_start3A_302] : memref<5x128x128xf32, #tpu.memory_space<vmem>> -> memref<1x128x128xf32, #tpu.memory_space<vmem>>
        %dma_start3A_304 = tpu.memref_squeeze %dma_start3A_303 : memref<1x128x128xf32, #tpu.memory_space<vmem>> -> memref<128x128xf32, #tpu.memory_space<vmem>>
        %dma_start3A_305 = arith.constant 0 : i32
        %dma_start3A_306 = tpu.memref_slice %arg5[%add3A_299, %dma_start3A_305] : memref<50x128xi32, #tpu.memory_space<vmem>> -> memref<1x128xi32, #tpu.memory_space<vmem>>
        %dma_start3A_307 = tpu.memref_squeeze %dma_start3A_306 : memref<1x128xi32, #tpu.memory_space<vmem>> -> memref<128xi32, #tpu.memory_space<vmem>>
        %dma_start3A_308 = arith.constant 0 : i32
        %dma_start3A_309 = arith.constant 0 : i32
        %dma_start3A_310 = tpu.memref_slice %arg3[%dma_start3A_308, %dma_start3A_309] : memref<100000x128xf32, #tpu.memory_space<hbm>> -> memref<100000x128xf32, #tpu.memory_space<hbm>>
        tpu.enqueue_indirect_dma source(%dma_start3A_310 : memref<100000x128xf32, #tpu.memory_space<hbm>>) target(%dma_start3A_304 : memref<128x128xf32, #tpu.memory_space<vmem>>) offsets(%dma_start3A_307 : memref<128xi32, #tpu.memory_space<vmem>>) semaphore(%arg10 : memref<!tpu.dma_semaphore, #tpu.memory_space<semaphore_mem>>)
      } else {
      }
      %dma_wait3A_89 = arith.constant 0 : i32
      %dma_wait3A_90 = arith.constant 0 : i32
      %dma_wait3A_91 = arith.constant 0 : i32
      %dma_wait3A_92 = arith.constant 0 : i32
      %dma_wait3A_93 = tpu.memref_slice %arg6[%dma_wait3A_90, %dma_wait3A_91, %dma_wait3A_92] : memref<5x128x128xf32, #tpu.memory_space<vmem>> -> memref<1x128x128xf32, #tpu.memory_space<vmem>>
      %dma_wait3A_94 = tpu.memref_squeeze %dma_wait3A_93 : memref<1x128x128xf32, #tpu.memory_space<vmem>> -> memref<128x128xf32, #tpu.memory_space<vmem>>
      %dma_wait3A_95 = arith.constant 0 : i32
      %dma_wait3A_96 = tpu.memref_slice %arg5[%dma_wait3A_89, %dma_wait3A_95] : memref<50x128xi32, #tpu.memory_space<vmem>> -> memref<1x128xi32, #tpu.memory_space<vmem>>
      %dma_wait3A_97 = tpu.memref_squeeze %dma_wait3A_96 : memref<1x128xi32, #tpu.memory_space<vmem>> -> memref<128xi32, #tpu.memory_space<vmem>>
      %dma_wait3A_98 = arith.constant 0 : i32
      %dma_wait3A_99 = arith.constant 0 : i32
      %dma_wait3A_100 = tpu.memref_slice %arg3[%dma_wait3A_98, %dma_wait3A_99] : memref<100000x128xf32, #tpu.memory_space<hbm>> -> memref<100000x128xf32, #tpu.memory_space<hbm>>
      tpu.wait_indirect_dma semaphore(%arg7 : memref<!tpu.dma_semaphore, #tpu.memory_space<semaphore_mem>>) src(%dma_wait3A_100 : memref<100000x128xf32, #tpu.memory_space<hbm>>) dst(%dma_wait3A_94 : memref<128x128xf32, #tpu.memory_space<vmem>>)
      %mul3A_101 = arith.constant 128 : i32
      %mul3A_102 = arith.muli %add3A, %mul3A_101 : i32
      %dma_start3A_103 = arith.constant 0 : i32
      %dma_start3A_104 = arith.constant 0 : i32
      %dma_start3A_105 = arith.constant 0 : i32
      %dma_start3A_106 = tpu.memref_slice %arg6[%dma_start3A_103, %dma_start3A_104, %dma_start3A_105] : memref<5x128x128xf32, #tpu.memory_space<vmem>> -> memref<1x128x128xf32, #tpu.memory_space<vmem>>
      %dma_start3A_107 = tpu.memref_squeeze %dma_start3A_106 : memref<1x128x128xf32, #tpu.memory_space<vmem>> -> memref<128x128xf32, #tpu.memory_space<vmem>>
      %dma_start3A_108 = arith.constant 0 : i32
      %dma_start3A_109 = tpu.memref_slice %arg4[%add3A_80, %mul3A_102, %dma_start3A_108] : memref<50x4096x128xf32, #tpu.memory_space<hbm>> -> memref<1x128x128xf32, #tpu.memory_space<hbm>>
      %dma_start3A_110 = tpu.memref_squeeze %dma_start3A_109 : memref<1x128x128xf32, #tpu.memory_space<hbm>> -> memref<128x128xf32, #tpu.memory_space<hbm>>
      %dma_start3A_111 = arith.constant 0 : i32
      %dma_start3A_112 = tpu.memref_slice %arg4[%add3A_80, %mul3A_102, %dma_start3A_111] : memref<50x4096x128xf32, #tpu.memory_space<hbm>> -> memref<1x128x128xf32, #tpu.memory_space<hbm>>
      %dma_start3A_113 = tpu.memref_squeeze %dma_start3A_112 : memref<1x128x128xf32, #tpu.memory_space<hbm>> -> memref<128x128xf32, #tpu.memory_space<hbm>>
      %dma_start3A_114 = arith.constant 0 : i32
      %dma_start3A_115 = arith.constant 0 : i32
      %dma_start3A_116 = tpu.memref_slice %arg6[%dma_start3A_103, %dma_start3A_114, %dma_start3A_115] : memref<5x128x128xf32, #tpu.memory_space<vmem>> -> memref<1x128x128xf32, #tpu.memory_space<vmem>>
      %dma_start3A_117 = tpu.memref_squeeze %dma_start3A_116 : memref<1x128x128xf32, #tpu.memory_space<vmem>> -> memref<128x128xf32, #tpu.memory_space<vmem>>
      tpu.enqueue_dma source(%dma_start3A_117 : memref<128x128xf32, #tpu.memory_space<vmem>>) target(%dma_start3A_113 : memref<128x128xf32, #tpu.memory_space<hbm>>) target_semaphore(%arg12 : memref<!tpu.dma_semaphore, #tpu.memory_space<semaphore_mem>>)
      %mul3A_118 = arith.constant 5 : i32
      %mul3A_119 = arith.muli %scan3A_76, %mul3A_118 : i32
      %add3A_120 = arith.constant 1 : i32
      %add3A_121 = arith.addi %mul3A_119, %add3A_120 : i32
      %ge3A_122 = arith.constant 2 : i32
      %ge3A_123 = arith.cmpi sge, %add3A_121, %ge3A_122 : i32
      %convert_element_type3A_124 = arith.extui %ge3A_123 : i1 to i32
      %cond3A_125 = arith.constant 0 : i32
      %cond3A_126 = arith.cmpi ne, %convert_element_type3A_124, %cond3A_125 : i32
      scf.if %cond3A_126 {
        %dma_wait3A_298 = arith.constant 4 : i32
        %dma_wait3A_299 = arith.constant 0 : i32
        %dma_wait3A_300 = arith.constant 0 : i32
        %dma_wait3A_301 = arith.constant 0 : i32
        %dma_wait3A_302 = tpu.memref_slice %arg6[%dma_wait3A_298, %dma_wait3A_300, %dma_wait3A_301] : memref<5x128x128xf32, #tpu.memory_space<vmem>> -> memref<1x128x128xf32, #tpu.memory_space<vmem>>
        %dma_wait3A_303 = tpu.memref_squeeze %dma_wait3A_302 : memref<1x128x128xf32, #tpu.memory_space<vmem>> -> memref<128x128xf32, #tpu.memory_space<vmem>>
        %dma_wait3A_304 = arith.constant 0 : i32
        %dma_wait3A_305 = arith.constant 0 : i32
        %dma_wait3A_306 = tpu.memref_slice %arg4[%dma_wait3A_299, %dma_wait3A_304, %dma_wait3A_305] : memref<50x4096x128xf32, #tpu.memory_space<hbm>> -> memref<1x128x128xf32, #tpu.memory_space<hbm>>
        %dma_wait3A_307 = tpu.memref_squeeze %dma_wait3A_306 : memref<1x128x128xf32, #tpu.memory_space<hbm>> -> memref<128x128xf32, #tpu.memory_space<hbm>>
        %dma_wait3A_308 = arith.constant 0 : i32
        %dma_wait3A_309 = arith.constant 0 : i32
        %dma_wait3A_310 = tpu.memref_slice %arg4[%dma_wait3A_299, %dma_wait3A_308, %dma_wait3A_309] : memref<50x4096x128xf32, #tpu.memory_space<hbm>> -> memref<1x128x128xf32, #tpu.memory_space<hbm>>
        %dma_wait3A_311 = tpu.memref_squeeze %dma_wait3A_310 : memref<1x128x128xf32, #tpu.memory_space<hbm>> -> memref<128x128xf32, #tpu.memory_space<hbm>>
        %dma_wait3A_312 = arith.constant 0 : i32
        %dma_wait3A_313 = arith.constant 0 : i32
        %dma_wait3A_314 = tpu.memref_slice %arg6[%dma_wait3A_298, %dma_wait3A_312, %dma_wait3A_313] : memref<5x128x128xf32, #tpu.memory_space<vmem>> -> memref<1x128x128xf32, #tpu.memory_space<vmem>>
        %dma_wait3A_315 = tpu.memref_squeeze %dma_wait3A_314 : memref<1x128x128xf32, #tpu.memory_space<vmem>> -> memref<128x128xf32, #tpu.memory_space<vmem>>
        tpu.wait_dma2 semaphore(%arg16 : memref<!tpu.dma_semaphore, #tpu.memory_space<semaphore_mem>>) src(%dma_wait3A_315 : memref<128x128xf32, #tpu.memory_space<vmem>>) dst(%dma_wait3A_311 : memref<128x128xf32, #tpu.memory_space<hbm>>)
      } else {
      }
      %add3A_127 = arith.constant 3 : i32
      %add3A_128 = arith.addi %add3A_121, %add3A_127 : i32
      %lt3A_129 = arith.constant 50 : i32
      %lt3A_130 = arith.cmpi slt, %add3A_128, %lt3A_129 : i32
      %convert_element_type3A_131 = arith.extui %lt3A_130 : i1 to i32
      %cond3A_132 = arith.constant 0 : i32
      %cond3A_133 = arith.cmpi ne, %convert_element_type3A_131, %cond3A_132 : i32
      scf.if %cond3A_133 {
        %add3A_298 = arith.constant 3 : i32
        %add3A_299 = arith.addi %add3A_121, %add3A_298 : i32
        %dma_start3A_300 = arith.constant 4 : i32
        %dma_start3A_301 = arith.constant 0 : i32
        %dma_start3A_302 = arith.constant 0 : i32
        %dma_start3A_303 = tpu.memref_slice %arg6[%dma_start3A_300, %dma_start3A_301, %dma_start3A_302] : memref<5x128x128xf32, #tpu.memory_space<vmem>> -> memref<1x128x128xf32, #tpu.memory_space<vmem>>
        %dma_start3A_304 = tpu.memref_squeeze %dma_start3A_303 : memref<1x128x128xf32, #tpu.memory_space<vmem>> -> memref<128x128xf32, #tpu.memory_space<vmem>>
        %dma_start3A_305 = arith.constant 0 : i32
        %dma_start3A_306 = tpu.memref_slice %arg5[%add3A_299, %dma_start3A_305] : memref<50x128xi32, #tpu.memory_space<vmem>> -> memref<1x128xi32, #tpu.memory_space<vmem>>
        %dma_start3A_307 = tpu.memref_squeeze %dma_start3A_306 : memref<1x128xi32, #tpu.memory_space<vmem>> -> memref<128xi32, #tpu.memory_space<vmem>>
        %dma_start3A_308 = arith.constant 0 : i32
        %dma_start3A_309 = arith.constant 0 : i32
        %dma_start3A_310 = tpu.memref_slice %arg3[%dma_start3A_308, %dma_start3A_309] : memref<100000x128xf32, #tpu.memory_space<hbm>> -> memref<100000x128xf32, #tpu.memory_space<hbm>>
        tpu.enqueue_indirect_dma source(%dma_start3A_310 : memref<100000x128xf32, #tpu.memory_space<hbm>>) target(%dma_start3A_304 : memref<128x128xf32, #tpu.memory_space<vmem>>) offsets(%dma_start3A_307 : memref<128xi32, #tpu.memory_space<vmem>>) semaphore(%arg11 : memref<!tpu.dma_semaphore, #tpu.memory_space<semaphore_mem>>)
      } else {
      }
      %dma_wait3A_134 = arith.constant 0 : i32
      %dma_wait3A_135 = arith.constant 1 : i32
      %dma_wait3A_136 = arith.constant 0 : i32
      %dma_wait3A_137 = arith.constant 0 : i32
      %dma_wait3A_138 = tpu.memref_slice %arg6[%dma_wait3A_135, %dma_wait3A_136, %dma_wait3A_137] : memref<5x128x128xf32, #tpu.memory_space<vmem>> -> memref<1x128x128xf32, #tpu.memory_space<vmem>>
      %dma_wait3A_139 = tpu.memref_squeeze %dma_wait3A_138 : memref<1x128x128xf32, #tpu.memory_space<vmem>> -> memref<128x128xf32, #tpu.memory_space<vmem>>
      %dma_wait3A_140 = arith.constant 0 : i32
      %dma_wait3A_141 = tpu.memref_slice %arg5[%dma_wait3A_134, %dma_wait3A_140] : memref<50x128xi32, #tpu.memory_space<vmem>> -> memref<1x128xi32, #tpu.memory_space<vmem>>
      %dma_wait3A_142 = tpu.memref_squeeze %dma_wait3A_141 : memref<1x128xi32, #tpu.memory_space<vmem>> -> memref<128xi32, #tpu.memory_space<vmem>>
      %dma_wait3A_143 = arith.constant 0 : i32
      %dma_wait3A_144 = arith.constant 0 : i32
      %dma_wait3A_145 = tpu.memref_slice %arg3[%dma_wait3A_143, %dma_wait3A_144] : memref<100000x128xf32, #tpu.memory_space<hbm>> -> memref<100000x128xf32, #tpu.memory_space<hbm>>
      tpu.wait_indirect_dma semaphore(%arg8 : memref<!tpu.dma_semaphore, #tpu.memory_space<semaphore_mem>>) src(%dma_wait3A_145 : memref<100000x128xf32, #tpu.memory_space<hbm>>) dst(%dma_wait3A_139 : memref<128x128xf32, #tpu.memory_space<vmem>>)
      %mul3A_146 = arith.constant 128 : i32
      %mul3A_147 = arith.muli %add3A, %mul3A_146 : i32
      %dma_start3A_148 = arith.constant 1 : i32
      %dma_start3A_149 = arith.constant 0 : i32
      %dma_start3A_150 = arith.constant 0 : i32
      %dma_start3A_151 = tpu.memref_slice %arg6[%dma_start3A_148, %dma_start3A_149, %dma_start3A_150] : memref<5x128x128xf32, #tpu.memory_space<vmem>> -> memref<1x128x128xf32, #tpu.memory_space<vmem>>
      %dma_start3A_152 = tpu.memref_squeeze %dma_start3A_151 : memref<1x128x128xf32, #tpu.memory_space<vmem>> -> memref<128x128xf32, #tpu.memory_space<vmem>>
      %dma_start3A_153 = arith.constant 0 : i32
      %dma_start3A_154 = tpu.memref_slice %arg4[%add3A_121, %mul3A_147, %dma_start3A_153] : memref<50x4096x128xf32, #tpu.memory_space<hbm>> -> memref<1x128x128xf32, #tpu.memory_space<hbm>>
      %dma_start3A_155 = tpu.memref_squeeze %dma_start3A_154 : memref<1x128x128xf32, #tpu.memory_space<hbm>> -> memref<128x128xf32, #tpu.memory_space<hbm>>
      %dma_start3A_156 = arith.constant 0 : i32
      %dma_start3A_157 = tpu.memref_slice %arg4[%add3A_121, %mul3A_147, %dma_start3A_156] : memref<50x4096x128xf32, #tpu.memory_space<hbm>> -> memref<1x128x128xf32, #tpu.memory_space<hbm>>
      %dma_start3A_158 = tpu.memref_squeeze %dma_start3A_157 : memref<1x128x128xf32, #tpu.memory_space<hbm>> -> memref<128x128xf32, #tpu.memory_space<hbm>>
      %dma_start3A_159 = arith.constant 0 : i32
      %dma_start3A_160 = arith.constant 0 : i32
      %dma_start3A_161 = tpu.memref_slice %arg6[%dma_start3A_148, %dma_start3A_159, %dma_start3A_160] : memref<5x128x128xf32, #tpu.memory_space<vmem>> -> memref<1x128x128xf32, #tpu.memory_space<vmem>>
      %dma_start3A_162 = tpu.memref_squeeze %dma_start3A_161 : memref<1x128x128xf32, #tpu.memory_space<vmem>> -> memref<128x128xf32, #tpu.memory_space<vmem>>
      tpu.enqueue_dma source(%dma_start3A_162 : memref<128x128xf32, #tpu.memory_space<vmem>>) target(%dma_start3A_158 : memref<128x128xf32, #tpu.memory_space<hbm>>) target_semaphore(%arg13 : memref<!tpu.dma_semaphore, #tpu.memory_space<semaphore_mem>>)
      %mul3A_163 = arith.constant 5 : i32
      %mul3A_164 = arith.muli %scan3A_76, %mul3A_163 : i32
      %add3A_165 = arith.constant 2 : i32
      %add3A_166 = arith.addi %mul3A_164, %add3A_165 : i32
      %ge3A_167 = arith.constant 2 : i32
      %ge3A_168 = arith.cmpi sge, %add3A_166, %ge3A_167 : i32
      %convert_element_type3A_169 = arith.extui %ge3A_168 : i1 to i32
      %cond3A_170 = arith.constant 0 : i32
      %cond3A_171 = arith.cmpi ne, %convert_element_type3A_169, %cond3A_170 : i32
      scf.if %cond3A_171 {
        %dma_wait3A_298 = arith.constant 0 : i32
        %dma_wait3A_299 = arith.constant 0 : i32
        %dma_wait3A_300 = arith.constant 0 : i32
        %dma_wait3A_301 = arith.constant 0 : i32
        %dma_wait3A_302 = tpu.memref_slice %arg6[%dma_wait3A_298, %dma_wait3A_300, %dma_wait3A_301] : memref<5x128x128xf32, #tpu.memory_space<vmem>> -> memref<1x128x128xf32, #tpu.memory_space<vmem>>
        %dma_wait3A_303 = tpu.memref_squeeze %dma_wait3A_302 : memref<1x128x128xf32, #tpu.memory_space<vmem>> -> memref<128x128xf32, #tpu.memory_space<vmem>>
        %dma_wait3A_304 = arith.constant 0 : i32
        %dma_wait3A_305 = arith.constant 0 : i32
        %dma_wait3A_306 = tpu.memref_slice %arg4[%dma_wait3A_299, %dma_wait3A_304, %dma_wait3A_305] : memref<50x4096x128xf32, #tpu.memory_space<hbm>> -> memref<1x128x128xf32, #tpu.memory_space<hbm>>
        %dma_wait3A_307 = tpu.memref_squeeze %dma_wait3A_306 : memref<1x128x128xf32, #tpu.memory_space<hbm>> -> memref<128x128xf32, #tpu.memory_space<hbm>>
        %dma_wait3A_308 = arith.constant 0 : i32
        %dma_wait3A_309 = arith.constant 0 : i32
        %dma_wait3A_310 = tpu.memref_slice %arg4[%dma_wait3A_299, %dma_wait3A_308, %dma_wait3A_309] : memref<50x4096x128xf32, #tpu.memory_space<hbm>> -> memref<1x128x128xf32, #tpu.memory_space<hbm>>
        %dma_wait3A_311 = tpu.memref_squeeze %dma_wait3A_310 : memref<1x128x128xf32, #tpu.memory_space<hbm>> -> memref<128x128xf32, #tpu.memory_space<hbm>>
        %dma_wait3A_312 = arith.constant 0 : i32
        %dma_wait3A_313 = arith.constant 0 : i32
        %dma_wait3A_314 = tpu.memref_slice %arg6[%dma_wait3A_298, %dma_wait3A_312, %dma_wait3A_313] : memref<5x128x128xf32, #tpu.memory_space<vmem>> -> memref<1x128x128xf32, #tpu.memory_space<vmem>>
        %dma_wait3A_315 = tpu.memref_squeeze %dma_wait3A_314 : memref<1x128x128xf32, #tpu.memory_space<vmem>> -> memref<128x128xf32, #tpu.memory_space<vmem>>
        tpu.wait_dma2 semaphore(%arg12 : memref<!tpu.dma_semaphore, #tpu.memory_space<semaphore_mem>>) src(%dma_wait3A_315 : memref<128x128xf32, #tpu.memory_space<vmem>>) dst(%dma_wait3A_311 : memref<128x128xf32, #tpu.memory_space<hbm>>)
      } else {
      }
      %add3A_172 = arith.constant 3 : i32
      %add3A_173 = arith.addi %add3A_166, %add3A_172 : i32
      %lt3A_174 = arith.constant 50 : i32
      %lt3A_175 = arith.cmpi slt, %add3A_173, %lt3A_174 : i32
      %convert_element_type3A_176 = arith.extui %lt3A_175 : i1 to i32
      %cond3A_177 = arith.constant 0 : i32
      %cond3A_178 = arith.cmpi ne, %convert_element_type3A_176, %cond3A_177 : i32
      scf.if %cond3A_178 {
        %add3A_298 = arith.constant 3 : i32
        %add3A_299 = arith.addi %add3A_166, %add3A_298 : i32
        %dma_start3A_300 = arith.constant 0 : i32
        %dma_start3A_301 = arith.constant 0 : i32
        %dma_start3A_302 = arith.constant 0 : i32
        %dma_start3A_303 = tpu.memref_slice %arg6[%dma_start3A_300, %dma_start3A_301, %dma_start3A_302] : memref<5x128x128xf32, #tpu.memory_space<vmem>> -> memref<1x128x128xf32, #tpu.memory_space<vmem>>
        %dma_start3A_304 = tpu.memref_squeeze %dma_start3A_303 : memref<1x128x128xf32, #tpu.memory_space<vmem>> -> memref<128x128xf32, #tpu.memory_space<vmem>>
        %dma_start3A_305 = arith.constant 0 : i32
        %dma_start3A_306 = tpu.memref_slice %arg5[%add3A_299, %dma_start3A_305] : memref<50x128xi32, #tpu.memory_space<vmem>> -> memref<1x128xi32, #tpu.memory_space<vmem>>
        %dma_start3A_307 = tpu.memref_squeeze %dma_start3A_306 : memref<1x128xi32, #tpu.memory_space<vmem>> -> memref<128xi32, #tpu.memory_space<vmem>>
        %dma_start3A_308 = arith.constant 0 : i32
        %dma_start3A_309 = arith.constant 0 : i32
        %dma_start3A_310 = tpu.memref_slice %arg3[%dma_start3A_308, %dma_start3A_309] : memref<100000x128xf32, #tpu.memory_space<hbm>> -> memref<100000x128xf32, #tpu.memory_space<hbm>>
        tpu.enqueue_indirect_dma source(%dma_start3A_310 : memref<100000x128xf32, #tpu.memory_space<hbm>>) target(%dma_start3A_304 : memref<128x128xf32, #tpu.memory_space<vmem>>) offsets(%dma_start3A_307 : memref<128xi32, #tpu.memory_space<vmem>>) semaphore(%arg7 : memref<!tpu.dma_semaphore, #tpu.memory_space<semaphore_mem>>)
      } else {
      }
      %dma_wait3A_179 = arith.constant 0 : i32
      %dma_wait3A_180 = arith.constant 2 : i32
      %dma_wait3A_181 = arith.constant 0 : i32
      %dma_wait3A_182 = arith.constant 0 : i32
      %dma_wait3A_183 = tpu.memref_slice %arg6[%dma_wait3A_180, %dma_wait3A_181, %dma_wait3A_182] : memref<5x128x128xf32, #tpu.memory_space<vmem>> -> memref<1x128x128xf32, #tpu.memory_space<vmem>>
      %dma_wait3A_184 = tpu.memref_squeeze %dma_wait3A_183 : memref<1x128x128xf32, #tpu.memory_space<vmem>> -> memref<128x128xf32, #tpu.memory_space<vmem>>
      %dma_wait3A_185 = arith.constant 0 : i32
      %dma_wait3A_186 = tpu.memref_slice %arg5[%dma_wait3A_179, %dma_wait3A_185] : memref<50x128xi32, #tpu.memory_space<vmem>> -> memref<1x128xi32, #tpu.memory_space<vmem>>
      %dma_wait3A_187 = tpu.memref_squeeze %dma_wait3A_186 : memref<1x128xi32, #tpu.memory_space<vmem>> -> memref<128xi32, #tpu.memory_space<vmem>>
      %dma_wait3A_188 = arith.constant 0 : i32
      %dma_wait3A_189 = arith.constant 0 : i32
      %dma_wait3A_190 = tpu.memref_slice %arg3[%dma_wait3A_188, %dma_wait3A_189] : memref<100000x128xf32, #tpu.memory_space<hbm>> -> memref<100000x128xf32, #tpu.memory_space<hbm>>
      tpu.wait_indirect_dma semaphore(%arg9 : memref<!tpu.dma_semaphore, #tpu.memory_space<semaphore_mem>>) src(%dma_wait3A_190 : memref<100000x128xf32, #tpu.memory_space<hbm>>) dst(%dma_wait3A_184 : memref<128x128xf32, #tpu.memory_space<vmem>>)
      %mul3A_191 = arith.constant 128 : i32
      %mul3A_192 = arith.muli %add3A, %mul3A_191 : i32
      %dma_start3A_193 = arith.constant 2 : i32
      %dma_start3A_194 = arith.constant 0 : i32
      %dma_start3A_195 = arith.constant 0 : i32
      %dma_start3A_196 = tpu.memref_slice %arg6[%dma_start3A_193, %dma_start3A_194, %dma_start3A_195] : memref<5x128x128xf32, #tpu.memory_space<vmem>> -> memref<1x128x128xf32, #tpu.memory_space<vmem>>
      %dma_start3A_197 = tpu.memref_squeeze %dma_start3A_196 : memref<1x128x128xf32, #tpu.memory_space<vmem>> -> memref<128x128xf32, #tpu.memory_space<vmem>>
      %dma_start3A_198 = arith.constant 0 : i32
      %dma_start3A_199 = tpu.memref_slice %arg4[%add3A_166, %mul3A_192, %dma_start3A_198] : memref<50x4096x128xf32, #tpu.memory_space<hbm>> -> memref<1x128x128xf32, #tpu.memory_space<hbm>>
      %dma_start3A_200 = tpu.memref_squeeze %dma_start3A_199 : memref<1x128x128xf32, #tpu.memory_space<hbm>> -> memref<128x128xf32, #tpu.memory_space<hbm>>
      %dma_start3A_201 = arith.constant 0 : i32
      %dma_start3A_202 = tpu.memref_slice %arg4[%add3A_166, %mul3A_192, %dma_start3A_201] : memref<50x4096x128xf32, #tpu.memory_space<hbm>> -> memref<1x128x128xf32, #tpu.memory_space<hbm>>
      %dma_start3A_203 = tpu.memref_squeeze %dma_start3A_202 : memref<1x128x128xf32, #tpu.memory_space<hbm>> -> memref<128x128xf32, #tpu.memory_space<hbm>>
      %dma_start3A_204 = arith.constant 0 : i32
      %dma_start3A_205 = arith.constant 0 : i32
      %dma_start3A_206 = tpu.memref_slice %arg6[%dma_start3A_193, %dma_start3A_204, %dma_start3A_205] : memref<5x128x128xf32, #tpu.memory_space<vmem>> -> memref<1x128x128xf32, #tpu.memory_space<vmem>>
      %dma_start3A_207 = tpu.memref_squeeze %dma_start3A_206 : memref<1x128x128xf32, #tpu.memory_space<vmem>> -> memref<128x128xf32, #tpu.memory_space<vmem>>
      tpu.enqueue_dma source(%dma_start3A_207 : memref<128x128xf32, #tpu.memory_space<vmem>>) target(%dma_start3A_203 : memref<128x128xf32, #tpu.memory_space<hbm>>) target_semaphore(%arg14 : memref<!tpu.dma_semaphore, #tpu.memory_space<semaphore_mem>>)
      %mul3A_208 = arith.constant 5 : i32
      %mul3A_209 = arith.muli %scan3A_76, %mul3A_208 : i32
      %add3A_210 = arith.constant 3 : i32
      %add3A_211 = arith.addi %mul3A_209, %add3A_210 : i32
      %ge3A_212 = arith.constant 2 : i32
      %ge3A_213 = arith.cmpi sge, %add3A_211, %ge3A_212 : i32
      %convert_element_type3A_214 = arith.extui %ge3A_213 : i1 to i32
      %cond3A_215 = arith.constant 0 : i32
      %cond3A_216 = arith.cmpi ne, %convert_element_type3A_214, %cond3A_215 : i32
      scf.if %cond3A_216 {
        %dma_wait3A_298 = arith.constant 1 : i32
        %dma_wait3A_299 = arith.constant 0 : i32
        %dma_wait3A_300 = arith.constant 0 : i32
        %dma_wait3A_301 = arith.constant 0 : i32
        %dma_wait3A_302 = tpu.memref_slice %arg6[%dma_wait3A_298, %dma_wait3A_300, %dma_wait3A_301] : memref<5x128x128xf32, #tpu.memory_space<vmem>> -> memref<1x128x128xf32, #tpu.memory_space<vmem>>
        %dma_wait3A_303 = tpu.memref_squeeze %dma_wait3A_302 : memref<1x128x128xf32, #tpu.memory_space<vmem>> -> memref<128x128xf32, #tpu.memory_space<vmem>>
        %dma_wait3A_304 = arith.constant 0 : i32
        %dma_wait3A_305 = arith.constant 0 : i32
        %dma_wait3A_306 = tpu.memref_slice %arg4[%dma_wait3A_299, %dma_wait3A_304, %dma_wait3A_305] : memref<50x4096x128xf32, #tpu.memory_space<hbm>> -> memref<1x128x128xf32, #tpu.memory_space<hbm>>
        %dma_wait3A_307 = tpu.memref_squeeze %dma_wait3A_306 : memref<1x128x128xf32, #tpu.memory_space<hbm>> -> memref<128x128xf32, #tpu.memory_space<hbm>>
        %dma_wait3A_308 = arith.constant 0 : i32
        %dma_wait3A_309 = arith.constant 0 : i32
        %dma_wait3A_310 = tpu.memref_slice %arg4[%dma_wait3A_299, %dma_wait3A_308, %dma_wait3A_309] : memref<50x4096x128xf32, #tpu.memory_space<hbm>> -> memref<1x128x128xf32, #tpu.memory_space<hbm>>
        %dma_wait3A_311 = tpu.memref_squeeze %dma_wait3A_310 : memref<1x128x128xf32, #tpu.memory_space<hbm>> -> memref<128x128xf32, #tpu.memory_space<hbm>>
        %dma_wait3A_312 = arith.constant 0 : i32
        %dma_wait3A_313 = arith.constant 0 : i32
        %dma_wait3A_314 = tpu.memref_slice %arg6[%dma_wait3A_298, %dma_wait3A_312, %dma_wait3A_313] : memref<5x128x128xf32, #tpu.memory_space<vmem>> -> memref<1x128x128xf32, #tpu.memory_space<vmem>>
        %dma_wait3A_315 = tpu.memref_squeeze %dma_wait3A_314 : memref<1x128x128xf32, #tpu.memory_space<vmem>> -> memref<128x128xf32, #tpu.memory_space<vmem>>
        tpu.wait_dma2 semaphore(%arg13 : memref<!tpu.dma_semaphore, #tpu.memory_space<semaphore_mem>>) src(%dma_wait3A_315 : memref<128x128xf32, #tpu.memory_space<vmem>>) dst(%dma_wait3A_311 : memref<128x128xf32, #tpu.memory_space<hbm>>)
      } else {
      }
      %add3A_217 = arith.constant 3 : i32
      %add3A_218 = arith.addi %add3A_211, %add3A_217 : i32
      %lt3A_219 = arith.constant 50 : i32
      %lt3A_220 = arith.cmpi slt, %add3A_218, %lt3A_219 : i32
      %convert_element_type3A_221 = arith.extui %lt3A_220 : i1 to i32
      %cond3A_222 = arith.constant 0 : i32
      %cond3A_223 = arith.cmpi ne, %convert_element_type3A_221, %cond3A_222 : i32
      scf.if %cond3A_223 {
        %add3A_298 = arith.constant 3 : i32
        %add3A_299 = arith.addi %add3A_211, %add3A_298 : i32
        %dma_start3A_300 = arith.constant 1 : i32
        %dma_start3A_301 = arith.constant 0 : i32
        %dma_start3A_302 = arith.constant 0 : i32
        %dma_start3A_303 = tpu.memref_slice %arg6[%dma_start3A_300, %dma_start3A_301, %dma_start3A_302] : memref<5x128x128xf32, #tpu.memory_space<vmem>> -> memref<1x128x128xf32, #tpu.memory_space<vmem>>
        %dma_start3A_304 = tpu.memref_squeeze %dma_start3A_303 : memref<1x128x128xf32, #tpu.memory_space<vmem>> -> memref<128x128xf32, #tpu.memory_space<vmem>>
        %dma_start3A_305 = arith.constant 0 : i32
        %dma_start3A_306 = tpu.memref_slice %arg5[%add3A_299, %dma_start3A_305] : memref<50x128xi32, #tpu.memory_space<vmem>> -> memref<1x128xi32, #tpu.memory_space<vmem>>
        %dma_start3A_307 = tpu.memref_squeeze %dma_start3A_306 : memref<1x128xi32, #tpu.memory_space<vmem>> -> memref<128xi32, #tpu.memory_space<vmem>>
        %dma_start3A_308 = arith.constant 0 : i32
        %dma_start3A_309 = arith.constant 0 : i32
        %dma_start3A_310 = tpu.memref_slice %arg3[%dma_start3A_308, %dma_start3A_309] : memref<100000x128xf32, #tpu.memory_space<hbm>> -> memref<100000x128xf32, #tpu.memory_space<hbm>>
        tpu.enqueue_indirect_dma source(%dma_start3A_310 : memref<100000x128xf32, #tpu.memory_space<hbm>>) target(%dma_start3A_304 : memref<128x128xf32, #tpu.memory_space<vmem>>) offsets(%dma_start3A_307 : memref<128xi32, #tpu.memory_space<vmem>>) semaphore(%arg8 : memref<!tpu.dma_semaphore, #tpu.memory_space<semaphore_mem>>)
      } else {
      }
      %dma_wait3A_224 = arith.constant 0 : i32
      %dma_wait3A_225 = arith.constant 3 : i32
      %dma_wait3A_226 = arith.constant 0 : i32
      %dma_wait3A_227 = arith.constant 0 : i32
      %dma_wait3A_228 = tpu.memref_slice %arg6[%dma_wait3A_225, %dma_wait3A_226, %dma_wait3A_227] : memref<5x128x128xf32, #tpu.memory_space<vmem>> -> memref<1x128x128xf32, #tpu.memory_space<vmem>>
      %dma_wait3A_229 = tpu.memref_squeeze %dma_wait3A_228 : memref<1x128x128xf32, #tpu.memory_space<vmem>> -> memref<128x128xf32, #tpu.memory_space<vmem>>
      %dma_wait3A_230 = arith.constant 0 : i32
      %dma_wait3A_231 = tpu.memref_slice %arg5[%dma_wait3A_224, %dma_wait3A_230] : memref<50x128xi32, #tpu.memory_space<vmem>> -> memref<1x128xi32, #tpu.memory_space<vmem>>
      %dma_wait3A_232 = tpu.memref_squeeze %dma_wait3A_231 : memref<1x128xi32, #tpu.memory_space<vmem>> -> memref<128xi32, #tpu.memory_space<vmem>>
      %dma_wait3A_233 = arith.constant 0 : i32
      %dma_wait3A_234 = arith.constant 0 : i32
      %dma_wait3A_235 = tpu.memref_slice %arg3[%dma_wait3A_233, %dma_wait3A_234] : memref<100000x128xf32, #tpu.memory_space<hbm>> -> memref<100000x128xf32, #tpu.memory_space<hbm>>
      tpu.wait_indirect_dma semaphore(%arg10 : memref<!tpu.dma_semaphore, #tpu.memory_space<semaphore_mem>>) src(%dma_wait3A_235 : memref<100000x128xf32, #tpu.memory_space<hbm>>) dst(%dma_wait3A_229 : memref<128x128xf32, #tpu.memory_space<vmem>>)
      %mul3A_236 = arith.constant 128 : i32
      %mul3A_237 = arith.muli %add3A, %mul3A_236 : i32
      %dma_start3A_238 = arith.constant 3 : i32
      %dma_start3A_239 = arith.constant 0 : i32
      %dma_start3A_240 = arith.constant 0 : i32
      %dma_start3A_241 = tpu.memref_slice %arg6[%dma_start3A_238, %dma_start3A_239, %dma_start3A_240] : memref<5x128x128xf32, #tpu.memory_space<vmem>> -> memref<1x128x128xf32, #tpu.memory_space<vmem>>
      %dma_start3A_242 = tpu.memref_squeeze %dma_start3A_241 : memref<1x128x128xf32, #tpu.memory_space<vmem>> -> memref<128x128xf32, #tpu.memory_space<vmem>>
      %dma_start3A_243 = arith.constant 0 : i32
      %dma_start3A_244 = tpu.memref_slice %arg4[%add3A_211, %mul3A_237, %dma_start3A_243] : memref<50x4096x128xf32, #tpu.memory_space<hbm>> -> memref<1x128x128xf32, #tpu.memory_space<hbm>>
      %dma_start3A_245 = tpu.memref_squeeze %dma_start3A_244 : memref<1x128x128xf32, #tpu.memory_space<hbm>> -> memref<128x128xf32, #tpu.memory_space<hbm>>
      %dma_start3A_246 = arith.constant 0 : i32
      %dma_start3A_247 = tpu.memref_slice %arg4[%add3A_211, %mul3A_237, %dma_start3A_246] : memref<50x4096x128xf32, #tpu.memory_space<hbm>> -> memref<1x128x128xf32, #tpu.memory_space<hbm>>
      %dma_start3A_248 = tpu.memref_squeeze %dma_start3A_247 : memref<1x128x128xf32, #tpu.memory_space<hbm>> -> memref<128x128xf32, #tpu.memory_space<hbm>>
      %dma_start3A_249 = arith.constant 0 : i32
      %dma_start3A_250 = arith.constant 0 : i32
      %dma_start3A_251 = tpu.memref_slice %arg6[%dma_start3A_238, %dma_start3A_249, %dma_start3A_250] : memref<5x128x128xf32, #tpu.memory_space<vmem>> -> memref<1x128x128xf32, #tpu.memory_space<vmem>>
      %dma_start3A_252 = tpu.memref_squeeze %dma_start3A_251 : memref<1x128x128xf32, #tpu.memory_space<vmem>> -> memref<128x128xf32, #tpu.memory_space<vmem>>
      tpu.enqueue_dma source(%dma_start3A_252 : memref<128x128xf32, #tpu.memory_space<vmem>>) target(%dma_start3A_248 : memref<128x128xf32, #tpu.memory_space<hbm>>) target_semaphore(%arg15 : memref<!tpu.dma_semaphore, #tpu.memory_space<semaphore_mem>>)
      %mul3A_253 = arith.constant 5 : i32
      %mul3A_254 = arith.muli %scan3A_76, %mul3A_253 : i32
      %add3A_255 = arith.constant 4 : i32
      %add3A_256 = arith.addi %mul3A_254, %add3A_255 : i32
      %ge3A_257 = arith.constant 2 : i32
      %ge3A_258 = arith.cmpi sge, %add3A_256, %ge3A_257 : i32
      %convert_element_type3A_259 = arith.extui %ge3A_258 : i1 to i32
      %cond3A_260 = arith.constant 0 : i32
      %cond3A_261 = arith.cmpi ne, %convert_element_type3A_259, %cond3A_260 : i32
      scf.if %cond3A_261 {
        %dma_wait3A_298 = arith.constant 2 : i32
        %dma_wait3A_299 = arith.constant 0 : i32
        %dma_wait3A_300 = arith.constant 0 : i32
        %dma_wait3A_301 = arith.constant 0 : i32
        %dma_wait3A_302 = tpu.memref_slice %arg6[%dma_wait3A_298, %dma_wait3A_300, %dma_wait3A_301] : memref<5x128x128xf32, #tpu.memory_space<vmem>> -> memref<1x128x128xf32, #tpu.memory_space<vmem>>
        %dma_wait3A_303 = tpu.memref_squeeze %dma_wait3A_302 : memref<1x128x128xf32, #tpu.memory_space<vmem>> -> memref<128x128xf32, #tpu.memory_space<vmem>>
        %dma_wait3A_304 = arith.constant 0 : i32
        %dma_wait3A_305 = arith.constant 0 : i32
        %dma_wait3A_306 = tpu.memref_slice %arg4[%dma_wait3A_299, %dma_wait3A_304, %dma_wait3A_305] : memref<50x4096x128xf32, #tpu.memory_space<hbm>> -> memref<1x128x128xf32, #tpu.memory_space<hbm>>
        %dma_wait3A_307 = tpu.memref_squeeze %dma_wait3A_306 : memref<1x128x128xf32, #tpu.memory_space<hbm>> -> memref<128x128xf32, #tpu.memory_space<hbm>>
        %dma_wait3A_308 = arith.constant 0 : i32
        %dma_wait3A_309 = arith.constant 0 : i32
        %dma_wait3A_310 = tpu.memref_slice %arg4[%dma_wait3A_299, %dma_wait3A_308, %dma_wait3A_309] : memref<50x4096x128xf32, #tpu.memory_space<hbm>> -> memref<1x128x128xf32, #tpu.memory_space<hbm>>
        %dma_wait3A_311 = tpu.memref_squeeze %dma_wait3A_310 : memref<1x128x128xf32, #tpu.memory_space<hbm>> -> memref<128x128xf32, #tpu.memory_space<hbm>>
        %dma_wait3A_312 = arith.constant 0 : i32
        %dma_wait3A_313 = arith.constant 0 : i32
        %dma_wait3A_314 = tpu.memref_slice %arg6[%dma_wait3A_298, %dma_wait3A_312, %dma_wait3A_313] : memref<5x128x128xf32, #tpu.memory_space<vmem>> -> memref<1x128x128xf32, #tpu.memory_space<vmem>>
        %dma_wait3A_315 = tpu.memref_squeeze %dma_wait3A_314 : memref<1x128x128xf32, #tpu.memory_space<vmem>> -> memref<128x128xf32, #tpu.memory_space<vmem>>
        tpu.wait_dma2 semaphore(%arg14 : memref<!tpu.dma_semaphore, #tpu.memory_space<semaphore_mem>>) src(%dma_wait3A_315 : memref<128x128xf32, #tpu.memory_space<vmem>>) dst(%dma_wait3A_311 : memref<128x128xf32, #tpu.memory_space<hbm>>)
      } else {
      }
      %add3A_262 = arith.constant 3 : i32
      %add3A_263 = arith.addi %add3A_256, %add3A_262 : i32
      %lt3A_264 = arith.constant 50 : i32
      %lt3A_265 = arith.cmpi slt, %add3A_263, %lt3A_264 : i32
      %convert_element_type3A_266 = arith.extui %lt3A_265 : i1 to i32
      %cond3A_267 = arith.constant 0 : i32
      %cond3A_268 = arith.cmpi ne, %convert_element_type3A_266, %cond3A_267 : i32
      scf.if %cond3A_268 {
        %add3A_298 = arith.constant 3 : i32
        %add3A_299 = arith.addi %add3A_256, %add3A_298 : i32
        %dma_start3A_300 = arith.constant 2 : i32
        %dma_start3A_301 = arith.constant 0 : i32
        %dma_start3A_302 = arith.constant 0 : i32
        %dma_start3A_303 = tpu.memref_slice %arg6[%dma_start3A_300, %dma_start3A_301, %dma_start3A_302] : memref<5x128x128xf32, #tpu.memory_space<vmem>> -> memref<1x128x128xf32, #tpu.memory_space<vmem>>
        %dma_start3A_304 = tpu.memref_squeeze %dma_start3A_303 : memref<1x128x128xf32, #tpu.memory_space<vmem>> -> memref<128x128xf32, #tpu.memory_space<vmem>>
        %dma_start3A_305 = arith.constant 0 : i32
        %dma_start3A_306 = tpu.memref_slice %arg5[%add3A_299, %dma_start3A_305] : memref<50x128xi32, #tpu.memory_space<vmem>> -> memref<1x128xi32, #tpu.memory_space<vmem>>
        %dma_start3A_307 = tpu.memref_squeeze %dma_start3A_306 : memref<1x128xi32, #tpu.memory_space<vmem>> -> memref<128xi32, #tpu.memory_space<vmem>>
        %dma_start3A_308 = arith.constant 0 : i32
        %dma_start3A_309 = arith.constant 0 : i32
        %dma_start3A_310 = tpu.memref_slice %arg3[%dma_start3A_308, %dma_start3A_309] : memref<100000x128xf32, #tpu.memory_space<hbm>> -> memref<100000x128xf32, #tpu.memory_space<hbm>>
        tpu.enqueue_indirect_dma source(%dma_start3A_310 : memref<100000x128xf32, #tpu.memory_space<hbm>>) target(%dma_start3A_304 : memref<128x128xf32, #tpu.memory_space<vmem>>) offsets(%dma_start3A_307 : memref<128xi32, #tpu.memory_space<vmem>>) semaphore(%arg9 : memref<!tpu.dma_semaphore, #tpu.memory_space<semaphore_mem>>)
      } else {
      }
      %dma_wait3A_269 = arith.constant 0 : i32
      %dma_wait3A_270 = arith.constant 4 : i32
      %dma_wait3A_271 = arith.constant 0 : i32
      %dma_wait3A_272 = arith.constant 0 : i32
      %dma_wait3A_273 = tpu.memref_slice %arg6[%dma_wait3A_270, %dma_wait3A_271, %dma_wait3A_272] : memref<5x128x128xf32, #tpu.memory_space<vmem>> -> memref<1x128x128xf32, #tpu.memory_space<vmem>>
      %dma_wait3A_274 = tpu.memref_squeeze %dma_wait3A_273 : memref<1x128x128xf32, #tpu.memory_space<vmem>> -> memref<128x128xf32, #tpu.memory_space<vmem>>
      %dma_wait3A_275 = arith.constant 0 : i32
      %dma_wait3A_276 = tpu.memref_slice %arg5[%dma_wait3A_269, %dma_wait3A_275] : memref<50x128xi32, #tpu.memory_space<vmem>> -> memref<1x128xi32, #tpu.memory_space<vmem>>
      %dma_wait3A_277 = tpu.memref_squeeze %dma_wait3A_276 : memref<1x128xi32, #tpu.memory_space<vmem>> -> memref<128xi32, #tpu.memory_space<vmem>>
      %dma_wait3A_278 = arith.constant 0 : i32
      %dma_wait3A_279 = arith.constant 0 : i32
      %dma_wait3A_280 = tpu.memref_slice %arg3[%dma_wait3A_278, %dma_wait3A_279] : memref<100000x128xf32, #tpu.memory_space<hbm>> -> memref<100000x128xf32, #tpu.memory_space<hbm>>
      tpu.wait_indirect_dma semaphore(%arg11 : memref<!tpu.dma_semaphore, #tpu.memory_space<semaphore_mem>>) src(%dma_wait3A_280 : memref<100000x128xf32, #tpu.memory_space<hbm>>) dst(%dma_wait3A_274 : memref<128x128xf32, #tpu.memory_space<vmem>>)
      %mul3A_281 = arith.constant 128 : i32
      %mul3A_282 = arith.muli %add3A, %mul3A_281 : i32
      %dma_start3A_283 = arith.constant 4 : i32
      %dma_start3A_284 = arith.constant 0 : i32
      %dma_start3A_285 = arith.constant 0 : i32
      %dma_start3A_286 = tpu.memref_slice %arg6[%dma_start3A_283, %dma_start3A_284, %dma_start3A_285] : memref<5x128x128xf32, #tpu.memory_space<vmem>> -> memref<1x128x128xf32, #tpu.memory_space<vmem>>
      %dma_start3A_287 = tpu.memref_squeeze %dma_start3A_286 : memref<1x128x128xf32, #tpu.memory_space<vmem>> -> memref<128x128xf32, #tpu.memory_space<vmem>>
      %dma_start3A_288 = arith.constant 0 : i32
      %dma_start3A_289 = tpu.memref_slice %arg4[%add3A_256, %mul3A_282, %dma_start3A_288] : memref<50x4096x128xf32, #tpu.memory_space<hbm>> -> memref<1x128x128xf32, #tpu.memory_space<hbm>>
      %dma_start3A_290 = tpu.memref_squeeze %dma_start3A_289 : memref<1x128x128xf32, #tpu.memory_space<hbm>> -> memref<128x128xf32, #tpu.memory_space<hbm>>
      %dma_start3A_291 = arith.constant 0 : i32
      %dma_start3A_292 = tpu.memref_slice %arg4[%add3A_256, %mul3A_282, %dma_start3A_291] : memref<50x4096x128xf32, #tpu.memory_space<hbm>> -> memref<1x128x128xf32, #tpu.memory_space<hbm>>
      %dma_start3A_293 = tpu.memref_squeeze %dma_start3A_292 : memref<1x128x128xf32, #tpu.memory_space<hbm>> -> memref<128x128xf32, #tpu.memory_space<hbm>>
      %dma_start3A_294 = arith.constant 0 : i32
      %dma_start3A_295 = arith.constant 0 : i32
      %dma_start3A_296 = tpu.memref_slice %arg6[%dma_start3A_283, %dma_start3A_294, %dma_start3A_295] : memref<5x128x128xf32, #tpu.memory_space<vmem>> -> memref<1x128x128xf32, #tpu.memory_space<vmem>>
      %dma_start3A_297 = tpu.memref_squeeze %dma_start3A_296 : memref<1x128x128xf32, #tpu.memory_space<vmem>> -> memref<128x128xf32, #tpu.memory_space<vmem>>
      tpu.enqueue_dma source(%dma_start3A_297 : memref<128x128xf32, #tpu.memory_space<vmem>>) target(%dma_start3A_293 : memref<128x128xf32, #tpu.memory_space<hbm>>) target_semaphore(%arg16 : memref<!tpu.dma_semaphore, #tpu.memory_space<semaphore_mem>>)
    }
    %scan3A_40 = arith.constant 10 : i32
    %dma_wait3A = arith.constant 3 : i32
    %dma_wait3A_41 = arith.constant 0 : i32
    %dma_wait3A_42 = arith.constant 0 : i32
    %dma_wait3A_43 = arith.constant 0 : i32
    %dma_wait3A_44 = tpu.memref_slice %arg6[%dma_wait3A, %dma_wait3A_42, %dma_wait3A_43] : memref<5x128x128xf32, #tpu.memory_space<vmem>> -> memref<1x128x128xf32, #tpu.memory_space<vmem>>
    %dma_wait3A_45 = tpu.memref_squeeze %dma_wait3A_44 : memref<1x128x128xf32, #tpu.memory_space<vmem>> -> memref<128x128xf32, #tpu.memory_space<vmem>>
    %dma_wait3A_46 = arith.constant 0 : i32
    %dma_wait3A_47 = arith.constant 0 : i32
    %dma_wait3A_48 = tpu.memref_slice %arg4[%dma_wait3A_41, %dma_wait3A_46, %dma_wait3A_47] : memref<50x4096x128xf32, #tpu.memory_space<hbm>> -> memref<1x128x128xf32, #tpu.memory_space<hbm>>
    %dma_wait3A_49 = tpu.memref_squeeze %dma_wait3A_48 : memref<1x128x128xf32, #tpu.memory_space<hbm>> -> memref<128x128xf32, #tpu.memory_space<hbm>>
    %dma_wait3A_50 = arith.constant 0 : i32
    %dma_wait3A_51 = arith.constant 0 : i32
    %dma_wait3A_52 = tpu.memref_slice %arg4[%dma_wait3A_41, %dma_wait3A_50, %dma_wait3A_51] : memref<50x4096x128xf32, #tpu.memory_space<hbm>> -> memref<1x128x128xf32, #tpu.memory_space<hbm>>
    %dma_wait3A_53 = tpu.memref_squeeze %dma_wait3A_52 : memref<1x128x128xf32, #tpu.memory_space<hbm>> -> memref<128x128xf32, #tpu.memory_space<hbm>>
    %dma_wait3A_54 = arith.constant 0 : i32
    %dma_wait3A_55 = arith.constant 0 : i32
    %dma_wait3A_56 = tpu.memref_slice %arg6[%dma_wait3A, %dma_wait3A_54, %dma_wait3A_55] : memref<5x128x128xf32, #tpu.memory_space<vmem>> -> memref<1x128x128xf32, #tpu.memory_space<vmem>>
    %dma_wait3A_57 = tpu.memref_squeeze %dma_wait3A_56 : memref<1x128x128xf32, #tpu.memory_space<vmem>> -> memref<128x128xf32, #tpu.memory_space<vmem>>
    tpu.wait_dma2 semaphore(%arg15 : memref<!tpu.dma_semaphore, #tpu.memory_space<semaphore_mem>>) src(%dma_wait3A_57 : memref<128x128xf32, #tpu.memory_space<vmem>>) dst(%dma_wait3A_53 : memref<128x128xf32, #tpu.memory_space<hbm>>)
    %dma_wait3A_58 = arith.constant 4 : i32
    %dma_wait3A_59 = arith.constant 0 : i32
    %dma_wait3A_60 = arith.constant 0 : i32
    %dma_wait3A_61 = arith.constant 0 : i32
    %dma_wait3A_62 = tpu.memref_slice %arg6[%dma_wait3A_58, %dma_wait3A_60, %dma_wait3A_61] : memref<5x128x128xf32, #tpu.memory_space<vmem>> -> memref<1x128x128xf32, #tpu.memory_space<vmem>>
    %dma_wait3A_63 = tpu.memref_squeeze %dma_wait3A_62 : memref<1x128x128xf32, #tpu.memory_space<vmem>> -> memref<128x128xf32, #tpu.memory_space<vmem>>
    %dma_wait3A_64 = arith.constant 0 : i32
    %dma_wait3A_65 = arith.constant 0 : i32
    %dma_wait3A_66 = tpu.memref_slice %arg4[%dma_wait3A_59, %dma_wait3A_64, %dma_wait3A_65] : memref<50x4096x128xf32, #tpu.memory_space<hbm>> -> memref<1x128x128xf32, #tpu.memory_space<hbm>>
    %dma_wait3A_67 = tpu.memref_squeeze %dma_wait3A_66 : memref<1x128x128xf32, #tpu.memory_space<hbm>> -> memref<128x128xf32, #tpu.memory_space<hbm>>
    %dma_wait3A_68 = arith.constant 0 : i32
    %dma_wait3A_69 = arith.constant 0 : i32
    %dma_wait3A_70 = tpu.memref_slice %arg4[%dma_wait3A_59, %dma_wait3A_68, %dma_wait3A_69] : memref<50x4096x128xf32, #tpu.memory_space<hbm>> -> memref<1x128x128xf32, #tpu.memory_space<hbm>>
    %dma_wait3A_71 = tpu.memref_squeeze %dma_wait3A_70 : memref<1x128x128xf32, #tpu.memory_space<hbm>> -> memref<128x128xf32, #tpu.memory_space<hbm>>
    %dma_wait3A_72 = arith.constant 0 : i32
    %dma_wait3A_73 = arith.constant 0 : i32
    %dma_wait3A_74 = tpu.memref_slice %arg6[%dma_wait3A_58, %dma_wait3A_72, %dma_wait3A_73] : memref<5x128x128xf32, #tpu.memory_space<vmem>> -> memref<1x128x128xf32, #tpu.memory_space<vmem>>
    %dma_wait3A_75 = tpu.memref_squeeze %dma_wait3A_74 : memref<1x128x128xf32, #tpu.memory_space<vmem>> -> memref<128x128xf32, #tpu.memory_space<vmem>>
    tpu.wait_dma2 semaphore(%arg16 : memref<!tpu.dma_semaphore, #tpu.memory_space<semaphore_mem>>) src(%dma_wait3A_75 : memref<128x128xf32, #tpu.memory_space<vmem>>) dst(%dma_wait3A_71 : memref<128x128xf32, #tpu.memory_space<hbm>>)
    return
  }
}

</mosaic_0001>

<sc_bundles>
// kernel: kernel.3.cloned.1.call-start
scs
__scs_entry_jumppad:
0x0: {  	(pc) =	sbr.rel $0x88, $3  }
0x1: {  	(tag) =	ssettag $0x0;
	lr =	simm.s32 $0x1  }
0x2: {  	[smem:$0x3F9F] =	sst lr;
	_ =	strace $0xD0000000  }
0x3: {  	_ = 	snop  }
0x4: {  	_ = 	snop  }
0x5: {  	_ = 	snop  }
0x6: {  	_ = 	snop  }
0x7: {  	_ = 	snop  }
__scs_overlays_trampoline_lowered:
0x8: {  	[smem:$0x3FAE] =	sst s0  }
0x9: {  	[smem:$0x3FAF] =	sst s1  }
0xa: {  	[smem:$0x3FB0] =	sst s2  }
0xb: {  	[smem:$0x3FB1] =	sst s3  }
0xc: {  	[smem:$0x3FB2] =	sst s4  }
0xd: {  	[smem:$0x3FB3] =	sst s5  }
0xe: {  	[smem:$0x3FB4] =	sst s6  }
0xf: {  	[smem:$0x3FB5] =	sst s7  }
0x10: {  	[smem:$0x3FB6] =	sst s8  }
0x11: {  	[smem:$0x3FB7] =	sst s9;
	s0 =	simm.s32 @!p0 $0x0  }
0x12: {  	s1 =	sld [smem:$0x3F9D];
	s0 =	simm.s32 @p0 $0x1  }
0x13: {  	[smem:$0x3FB8] =	sst s0;
	s0 =	simm.s32 @!p1 $0x0  }
0x14: {  	s2 =	sld [smem:$0x3F9C];
	s0 =	simm.s32 @p1 $0x1  }
0x15: {  	[smem:$0x3FB9] =	sst s0;
	s0 =	simm.s32 @!p2 $0x0  }
0x16: {  	s3 =	sld [smem:$0x3FDB];
	s0 =	simm.s32 @p2 $0x1  }
0x17: {  	s4 =	simm.s32 $0x1BF5;
	[smem:$0x3FBB] =	sst s0  }
0x18: {  	s0 =	sld [smem:$0x3F9E];
	_ =	swait.ge [sflag:s4], $0x0  }
0x19: {  	s7 =	sld [smem:$0x3F9F]  }
0x1a: {  	s8 =	sadd.s32 $0xFFFFE003, lr  }
0x1b: {  	s9 =	sadd.s32 $0xFFFFFEF7, lr;
	s5 =	simm.s32 $0xFFFFFFFF;
	p2 =	slt.u32 s8, $0xFFFFF086  }
0x1c: {  	p1 =	slt.u32 s9, $0xF7A;
	s5 =	simm.s32 @!p2 $0x0  }
0x1d: {  	s5 =	simm.s32 @p1 $0x1;
	p0 =	seq.s32 s7, s2  }
0x1e: {  	s7 =	smul.u32 @!p0 $0xF7A, s2;
	p2 =	seq.s32 @!p0 s5, $0x0  }
0x1f: {  	s9 =	smul.u32 $0xF7A, s1;
	s8 =	simm.s32 @!p0 $0x1BF5;
	p2 =	por !p2, p0  }
0x20: {  	[sflag:s8] =	ssyncset.s32 @!p0 $0xFFFFF086;
	s6 =	sadd.s32 @!p0 s3, s7;
	s7 =	simm.s32 @!p0 $0x108  }
0x21: {  	s3 =	sadd.s32 s3, s9;
	s6 =	sadd.s32 @!p0 $0x88, s6;
	s7 =	simm.s32 @p2 $0x1082  }
0x22: {  	[simem:s7], [sflag:s8] =	dma.local @!p0 [hbm:s6], $0xF7A  }
0x23: {  	s9 =	sor.u32 $0xD0000000, s2;
	s6 =	simm.s32 $0x108;
	_ =	swait.ge @!p0 [sflag:s8], $0x0  }
0x24: {  	s3 =	sadd.s32 $0x88, s3;
	s6 =	simm.s32 @!p1 $0x1082;
	[sflag:s4] =	ssyncset.s32 $0xFFFFF086  }
0x25: {  	[simem:s6], [sflag:s4] =	dma.local [hbm:s3], $0xF7A  }
0x26: {  	[smem:$0x3F9F] =	sst s1;
	(tag) =	ssettag s2;
	_ =	strace s9  }
0x27: {  	s1 =	sld [smem:$0x3FAF]  }
0x28: {  	s2 =	sld [smem:$0x3FB0]  }
0x29: {  	s4 =	sld [smem:$0x3FB2]  }
0x2a: {  	p0 =	seq.s32 s5, $0x0;
	s5 =	sld [smem:$0x3FB3]  }
0x2b: {  	s6 =	sld [smem:$0x3FB4]  }
0x2c: {  	s7 =	sld [smem:$0x3FB5]  }
0x2d: {  	s3 =	simm.s32 $0x108;
	s8 =	sld [smem:$0x3FB6]  }
0x2e: {  	s3 =	simm.s32 @!p0 $0x1082;
	s9 =	sld [smem:$0x3FB7]  }
0x2f: {  	lr =	sadd.s32 s0, s3;
	s0 =	sld [smem:$0x3FAE]  }
0x30: {  	s3 =	sld [smem:$0x3FB1]  }
0x31: {  	[smem:$0x3FBA] =	sst s10  }
0x32: {  	s10 =	sld [smem:$0x3FB8];
	_ =	sdelay $0x3  }
0x33: {  	p0 =	seq.s32 s10, $0x1;
	s10 =	sld [smem:$0x3FBA];
	_ =	sdelay $0x3  }
0x34: {  	[smem:$0x3FBA] =	sst s10  }
0x35: {  	s10 =	sld [smem:$0x3FB9];
	_ =	sdelay $0x3  }
0x36: {  	p1 =	seq.s32 s10, $0x1;
	s10 =	sld [smem:$0x3FBA];
	_ =	sdelay $0x3  }
0x37: {  	[smem:$0x3FBA] =	sst s10  }
0x38: {  	s10 =	sld [smem:$0x3FBB]  }
0x39: {  	_ = 	snop;
	(pc) =	sbr.ind lr, $3  }
0x3a: {  	_ = 	snop  }
0x3b: {  	_ = 	snop  }
0x3c: {  	p2 =	seq.s32 s10, $0x1;
	s10 =	sld [smem:$0x3FBA]  }
0x3d: {  	_ =	shalt  }
0x3e: {  	_ =	shalt  }
0x3f: {  	_ =	shalt  }
0x40: {  	_ =	shalt  }
0x41: {  	_ =	shalt  }
0x42: {  	_ =	shalt  }
0x43: {  	_ =	shalt  }
0x44: {  	_ =	shalt  }
0x45: {  	_ =	shalt  }
0x46: {  	_ =	shalt  }
0x47: {  	_ =	shalt  }
0x48: {  	_ =	shalt  }
0x49: {  	_ =	shalt  }
0x4a: {  	_ =	shalt  }
0x4b: {  	_ =	shalt  }
0x4c: {  	_ =	shalt  }
0x4d: {  	_ =	shalt  }
0x4e: {  	_ =	shalt  }
0x4f: {  	_ =	shalt  }
0x50: {  	_ =	shalt  }
0x51: {  	_ =	shalt  }
0x52: {  	_ =	shalt  }
0x53: {  	_ =	shalt  }
0x54: {  	_ =	shalt  }
0x55: {  	_ =	shalt  }
0x56: {  	_ =	shalt  }
0x57: {  	_ =	shalt  }
0x58: {  	_ =	shalt  }
0x59: {  	_ =	shalt  }
0x5a: {  	_ =	shalt  }
0x5b: {  	_ =	shalt  }
0x5c: {  	_ =	shalt  }
0x5d: {  	_ =	shalt  }
0x5e: {  	_ =	shalt  }
0x5f: {  	_ =	shalt  }
0x60: {  	_ =	shalt  }
0x61: {  	_ =	shalt  }
0x62: {  	_ =	shalt  }
0x63: {  	_ =	shalt  }
0x64: {  	_ =	shalt  }
0x65: {  	_ =	shalt  }
0x66: {  	_ =	shalt  }
0x67: {  	_ =	shalt  }
0x68: {  	_ =	shalt  }
0x69: {  	_ =	shalt  }
0x6a: {  	_ =	shalt  }
0x6b: {  	_ =	shalt  }
0x6c: {  	_ =	shalt  }
0x6d: {  	_ =	shalt  }
0x6e: {  	_ =	shalt  }
0x6f: {  	_ =	shalt  }
0x70: {  	_ =	shalt  }
0x71: {  	_ =	shalt  }
0x72: {  	_ =	shalt  }
0x73: {  	_ =	shalt  }
0x74: {  	_ =	shalt  }
0x75: {  	_ =	shalt  }
0x76: {  	_ =	shalt  }
0x77: {  	_ =	shalt  }
0x78: {  	_ =	shalt  }
0x79: {  	_ =	shalt  }
0x7a: {  	_ =	shalt  }
0x7b: {  	_ =	shalt  }
0x7c: {  	_ =	shalt  }
0x7d: {  	_ =	shalt  }
0x7e: {  	_ =	shalt  }
0x7f: {  	_ =	shalt  }
0x80: {  	_ =	shalt  }
0x81: {  	_ =	shalt  }
0x82: {  	_ =	shalt  }
0x83: {  	_ =	shalt  }
0x84: {  	_ =	shalt  }
0x85: {  	_ =	shalt  }
0x86: {  	_ =	shalt  }
0x87: {  	_ =	shalt  }
.Lfunc_end0:
.L_simem_size_0:
called_computation_lowered:
.L_overlay_start_0:
0x88: {  	s2 =	sld [smem:$0x3FD9]  }
0x89: {  	s3 =	sld [smem:$0x3FFE];
	_ =	sdelay $0x1  }
0x8a: {  	s1 =	srdreg.scid  }
0x8b: {  	s0 =	sand.u32 $0x1, s1  }
0x8c: {  	s17 =	sshll.u32 s0, $0xA;
	s2 =	sadd.s32 s3, s2  }
0x8d: {  	s2 =	sadd.s32 s2, s17  }
0x8e: {  	[smem:$0x3FC6] =	sst s2  }
0x8f: {  	_ = 	snop  }
0x90: {  	s2 =	sld [smem:$0x3FC8]  }
0x91: {  	s18 =	sld [smem:$0x3FD0];
	(tm) =	ssettm $0x1  }
0x92: {  	s4 =	sld [smem:$0x3FFB];
	_ =	sdelay $0x3  }
0x93: {  	_ =	strace s4  }
0x94: {  	s4 =	sld [smem:$0x3FFC];
	_ =	sdelay $0x3  }
0x95: {  	_ =	strace s4  }
0x96: {  	s4 =	sld [smem:$0x3FFD];
	_ =	sdelay $0x3  }
0x97: {  	_ =	strace s4  }
0x98: {  	_ =	strace $0x8FFFFFFF  }
0x99: {  	s19 =	sld [smem:$0x3FDB];
	_ =	sdelay $0x1  }
0x9a: {  	s5 =	simm.s32 $_scs_section_size  }
0x9b: {  	s6 =	simm.s32 $_size__tile_overlayer_lowered;
	s7 =	simm.s32 $_tile_overlayer_lowered  }
0x9c: {  	s22 =	simm.s32 $0x1BFF;
	s21 =	sshll.u32 s7, $0x1;
	s4 =	sadd.s32 s5, s19  }
0x9d: {  	s8 =	simm.s32 $0x0;
	s20 =	sshll.u32 s6, $0x1;
	s6 =	sadd.s32 s21, s4  }
0x9e: {  	[timem:s8], [sflag:s22] =	dma.local [hbm:s6], s20  }
0x9f: {  	_ =	swait.ge [sflag:s22], s20  }
0xa0: {  	s5 =	ssub.s32 $0x0, s20;
	[sflag:s22] =	ssyncset.done $0x0  }
0xa1: {  	[sflag:s22] =	ssyncadd.s32 s5;
	_ =	sdelay $0x1  }
0xa2: {  	s23 =	simm.s32 $0x1B8B  }
0xa3: {  	_ =	swait.ge [sflag:s23], $0x1  }
0xa4: {  	[sflag:s23] =	ssyncset.done $0x0  }
0xa5: {  	s25 =	simm.s32 $0x1B8E;
	s24 =	sld [smem:$0x3FFE];
	[sflag:s23] =	ssyncadd.s32 $0xFFFFFFFF  }
0xa6: {  	s26 =	simm.s32 $execute0_lowered;
	[smem:$0x3FD2] =	sst s25  }
0xa7: {  	s6 =	sshll.u32 s26, $0x1;
	_ =	strace $0x80000046;
	[dreg:$0x1] =	wrdreg $0xFFFFFFFF  }
0xa8: {  	s28 =	simm.s32 $_size_execute0_lowered;
	s4 =	sadd.s32 s4, s6;
	[dreg:$0x0] =	wrdreg $0x0  }
0xa9: {  	s6 =	sshll.u32 s28, $0x1;
	[dreg:$0x2] =	wrdreg s4  }
0xaa: {  	[dreg:$0x3] =	wrdreg s6  }
0xab: {  	[dreg:$0x4] =	wrdreg $0xC0  }
0xac: {  	_ =	task [dreg:s8], $0x5FFFF  }
0xad: {  	[dreg:$0x1] =	wrdreg $0xFFFFFFFF  }
0xae: {  	[dreg:$0x0] =	wrdreg $0x60  }
0xaf: {  	[dreg:$0x2] =	wrdreg s24  }
0xb0: {  	[dreg:$0x3] =	wrdreg s2  }
0xb1: {  	[dreg:$0x4] =	wrdreg s18  }
0xb2: {  	[dreg:$0x5] =	wrdreg $0x9  }
0xb3: {  	_ =	task.clear_ibuf [dreg:s8], $0x6FFFF;
	_ =	strace $0x90000046  }
0xb4: {  	s29 =	simm.s32 $0x9;
	_ =	strace $0x80000048  }
0xb5: {  	_ =	swait.ge [sflag:s29], $0x1  }
0xb6: {  	[sflag:s29] =	ssyncadd.s32 $0xFFFFFFFF  }
0xb7: {  	_ =	strace $0x90000048  }
0xb8: {  	_ =	sfence  }
0xb9: {  	s30 =	sld [smem:$0x0];
	_ =	sdelay $0x2  }
0xba: {  	s31 =	sshll.u32 s1, $0xD;
	s1 =	sshrl.u32 s1, $0x2  }
0xbb: {  	s3 =	sand.u32 $0x4000, s31;
	s1 =	sadd.s32 s1, s30  }
0xbc: {  	s0 =	sor.u32 s3, s0;
	s1 =	sshll.u32 s1, $0x11  }
0xbd: {  	s0 =	sor.u32 s1, s0  }
0xbe: {  	s0 =	sadd.s32 $0x8F2B, s0  }
0xbf: {  	[sflag:s0] =	ssyncadd.remote.s32 $0x1  }
0xc0: {  	_ =	sfence.sel $0xFFFF  }
0xc1: {  	[dreg:$0x0] =	wrdreg $0xFFFFFFFF;
	(pc) =	sbr.abs _section_cstart, $3  }
0xc2: {  	[dreg:$0x1] =	wrdreg $0xFFFFFFFF  }
0xc3: {  	_ =	task.clear_ibuf [dreg:s8], $0x2FFFF;
	_ =	strace $0x9FFFFFFF  }
0xc4: {  	(tm) =	ssettm $0x7FFFFFFF  }
0xc5: {  	_ =	shalt  }
tec
execute0_lowered:
.L_overlay_start_1:
0x0: {  	(tag) =	ssettag $0x1  }
0x1: {  	s0 =	rddreg [dreg:$0x0]  }
0x2: {  	s1 =	rddreg [dreg:$0x1]  }
0x3: {  	s2 =	rddreg [dreg:$0x2];
	s4 =	srdreg.scid  }
0x4: {  	s3 =	simm.s32 $0x0;
	s8 =	stileid.u32;
	s11 =	simm.s32 $0x80  }
0x5: {  	s14 =	simm.s32 $0x1C00;
	s15 =	simm.s32 $0x5C00;
	s17 =	simm.s32 $0x9C00  }
0x6: {  	s18 =	simm.s32 $0xDC00;
	s28 =	simm.s32 $0x5;
	s31 =	simm.s32 $0x0  }
0x7: {  	s4 =	sand.u32 $0x1, s4;
	[smem:$0x7FF] =	sst s3;
	s5 =	sshll.u32 s8, $0x5  }
0x8: {  	s8 =	sshll.u32 s8, $0xF;
	s6 =	sshll.u32 s4, $0x4;
	_ =	strace $0x80000047  }
0x9: {  	s19 =	ssub.s32 $0x2, s4;
	s4 =	sshll.u32 s4, $0xE;
	s5 =	sor.u32 s6, s5  }
0xa: {  	s7 =	sshrl.u32 s19, $0x1;
	s4 =	sor.u32 s4, s8;
	s0 =	sadd.s32 s5, s0  }
0xb: {  	s20 =	ssub.s32 s19, s7;
	s21 =	sor.u32 $0x100000, s4;
	s22 =	sor.u32 $0x80000, s4  }
0xc: {  	s25 =	sor.u32 $0x200000, s4;
	s26 =	sshrl.u32 s4, $0x3;
	s4 =	sor.u32 $0x180000, s4  }
0xd: {  	s19 =	simm.s32 $0x1;
	s0 =	sadd.s32 $0x400, s0;
	s5 =	smax.u32 s20, $0x1  }
0xe: {  	s23 =	sshrl.u32 s22, $0x3;
	s30 =	sshrl.u32 s4, $0x3;
	[dreg:$0x4] =	wrdreg s0  }
0xf: {  	s20 =	simm.s32 $0x11C00;
	s22 =	simm.s32 $0x6;
	[dreg:$0x5] =	wrdreg s5  }
0x10: {  	s0 =	sshrl.u32 s21, $0x3;
	s24 =	sadd.s32 s23, s2;
	s5 =	sadd.s32 s26, s2  }
0x11: {  	s10 =	sadd.s32 s30, s2;
	s21 =	simm.s32 $0x2;
	[dreg:$0x7] =	wrdreg s24  }
0x12: {  	s23 =	simm.s32 $0x3;
	s0 =	sadd.s32 s0, s2;
	[dreg:$0x8] =	wrdreg s5  }
0x13: {  	s26 =	simm.s32 $0x8;
	[dreg:$0x6] =	wrdreg s0;
	s0 =	sshrl.u32 s25, $0x3  }
0x14: {  	s24 =	simm.s32 $0x7;
	s25 =	simm.s32 $0x4;
	s29 =	sadd.s32 s0, s2  }
.LBB2_1:
0x15: {  	s0 =	rddreg [dreg:$0x4];
	s2 =	simm.s32 $0x1000;
	s12 =	simm.s32 $0xB  }
0x16: {  	[tilespmem:s3], [sflag:$0xB] =	stream.strided.gather [hbm4b:s0+s11], $0x1900, s2, s11, $0x38;
	[tilespmem:$0x15C00] =	vst v63  }
0x17: {  	_ =	swait.ge [sflag:s12], $0x1900  }
0x18: {  	[sflag:s12] =	ssyncset.done $0x0  }
0x19: {  	[sflag:s12] =	ssyncadd.s32 $0xFFFFE700  }
0x1a: {  	[tilespmem:s14], [sflag:$0x1] =	stream.indirect.gather [hbm4b:s1+s11], $0x80, s3, s11, $0xb8;
	[tilespmem:$0x15C00] =	vst v63  }
0x1b: {  	p0 =	por $0x1, $0x1  }
0x1c: {  	[tilespmem:s15], [sflag:$0x2] =	stream.indirect.gather [hbm4b:s1+s11], $0x80, s11, s11, $0xb8;
	[tilespmem:$0x15C00] =	vst v63  }
0x1d: {  	s13 =	simm.s32 $0x100;
	s0 =	simm.s32 @!p0 $0x9  }
0x1e: {  	[tilespmem:s17], [sflag:$0x3] =	stream.indirect.gather [hbm4b:s1+s11], $0x80, s13, s11, $0xb8;
	[tilespmem:$0x15C00] =	vst v63  }
0x1f: {  	_ =	swait.ge @!p0 [sflag:s0], $0x4000  }
0x20: {  	[sflag:s0] =	ssyncset.done @!p0 $0x0  }
0x21: {  	s16 =	simm.s32 $0x180;
	[sflag:s0] =	ssyncadd.s32 @!p0 $0xFFFFC000  }
0x22: {  	[tilespmem:s18], [sflag:$0x4] =	stream.indirect.gather [hbm4b:s1+s11], $0x80, s16, s11, $0xb8;
	[tilespmem:$0x15C00] =	vst v63  }
0x23: {  	_ =	swait.ge [sflag:s19], $0x4000  }
0x24: {  	[sflag:s19] =	ssyncset.done $0x0  }
0x25: {  	s0 =	simm.s32 @!p0 $0xA;
	s8 =	rddreg [dreg:$0x8];
	[sflag:s19] =	ssyncadd.s32 $0xFFFFC000  }
0x26: {  	[hbm4b:s8+s3] =	stream.linear.scatter [tilespmem:s14], [sflag:$0x6], $0x4000, $0x38;
	[tilespmem:$0x15C00] =	vst v63  }
0x27: {  	_ =	swait.ge @!p0 [sflag:s0], $0x4000  }
0x28: {  	[sflag:s0] =	ssyncset.done @!p0 $0x0  }
0x29: {  	s30 =	simm.s32 $0x200;
	[sflag:s0] =	ssyncadd.s32 @!p0 $0xFFFFC000  }
0x2a: {  	[tilespmem:s20], [sflag:$0x5] =	stream.indirect.gather [hbm4b:s1+s11], $0x80, s30, s11, $0xb8;
	[tilespmem:$0x15C00] =	vst v63  }
0x2b: {  	_ =	swait.ge [sflag:s21], $0x4000  }
0x2c: {  	[sflag:s21] =	ssyncset.done $0x0  }
0x2d: {  	s7 =	rddreg [dreg:$0x7];
	[sflag:s21] =	ssyncadd.s32 $0xFFFFC000  }
0x2e: {  	[hbm4b:s7+s3] =	stream.linear.scatter [tilespmem:s15], [sflag:$0x7], $0x4000, $0x38;
	[tilespmem:$0x15C00] =	vst v63  }
0x2f: {  	p0 =	por $0x0, $0x0;
	_ =	swait.ge [sflag:s22], $0x4000  }
0x30: {  	s0 =	simm.s32 @!p0 $0x1C00;
	[sflag:s22] =	ssyncset.done $0x0  }
0x31: {  	s2 =	simm.s32 @!p0 $0x280;
	s4 =	simm.s32 @!p0 $0x80;
	[sflag:s22] =	ssyncadd.s32 $0xFFFFC000  }
0x32: {  	[tilespmem:s0], [sflag:$0x1] =	stream.indirect.gather @!p0 [hbm4b:s1+s4], $0x80, s2, s4, $0xb8;
	[tilespmem:$0x15C00] =	vst v63  }
0x33: {  	_ =	swait.ge [sflag:s23], $0x4000  }
0x34: {  	[sflag:s23] =	ssyncset.done $0x0  }
0x35: {  	s6 =	rddreg [dreg:$0x6];
	[sflag:s23] =	ssyncadd.s32 $0xFFFFC000  }
0x36: {  	[hbm4b:s6+s3] =	stream.linear.scatter [tilespmem:s17], [sflag:$0x8], $0x4000, $0x38;
	[tilespmem:$0x15C00] =	vst v63  }
0x37: {  	_ =	swait.ge [sflag:s24], $0x4000  }
0x38: {  	[sflag:s24] =	ssyncset.done $0x0  }
0x39: {  	s0 =	simm.s32 @!p0 $0x300;
	s2 =	simm.s32 @!p0 $0x5C00;
	[sflag:s24] =	ssyncadd.s32 $0xFFFFC000  }
0x3a: {  	[tilespmem:s2], [sflag:$0x2] =	stream.indirect.gather @!p0 [hbm4b:s1+s4], $0x80, s0, s4, $0xb8;
	[tilespmem:$0x15C00] =	vst v63  }
0x3b: {  	_ =	swait.ge [sflag:s25], $0x4000  }
0x3c: {  	[sflag:s25] =	ssyncset.done $0x0  }
0x3d: {  	p1 =	por $0x0, $0x0;
	[sflag:s25] =	ssyncadd.s32 $0xFFFFC000  }
0x3e: {  	[hbm4b:s10+s3] =	stream.linear.scatter [tilespmem:s18], [sflag:$0x9], $0x4000, $0x38;
	[tilespmem:$0x15C00] =	vst v63  }
0x3f: {  	s13 =	simm.s32 $0x1400;
	s16 =	simm.s32 $0xA00;
	_ =	swait.ge [sflag:s26], $0x4000  }
0x40: {  	s5 =	simm.s32 @!p0 $0x380;
	s9 =	simm.s32 @!p0 $0x9C00;
	[sflag:s26] =	ssyncset.done $0x0  }
0x41: {  	s12 =	sadd.s32 $0x50000, s6;
	s2 =	sadd.s32 $0x50000, s10;
	[sflag:s26] =	ssyncadd.s32 $0xFFFFC000  }
0x42: {  	[tilespmem:s9], [sflag:$0x3] =	stream.indirect.gather @!p0 [hbm4b:s1+s4], $0x80, s5, s4, $0xb8;
	[tilespmem:$0x15C00] =	vst v63  }
0x43: {  	s0 =	sadd.s32 $0x50000, s29;
	s4 =	sadd.s32 $0x50000, s7;
	_ =	swait.ge [sflag:s28], $0x4000  }
0x44: {  	s5 =	sadd.s32 $0x50000, s8;
	s9 =	smov.u32 s29;
	[sflag:s28] =	ssyncset.done $0x0  }
.LBB2_2:
0x45: {  	s30 =	simm.s32 @!p1 $0x9  }
0x46: {  	[sflag:s28] =	ssyncadd.s32 $0xFFFFC000;
	s6 =	smov.u32 s13;
	s13 =	sadd.s32 $0xA00, s13  }
0x47: {  	[hbm4b:s9+s3] =	stream.linear.scatter [tilespmem:s20], [sflag:$0xA], $0x4000, $0x38;
	[tilespmem:$0x15C00] =	vst v63  }
0x48: {  	p0 =	sne.s32 s13, $0x6400;
	s9 =	smov.u32 s0;
	_ =	swait.ge @!p1 [sflag:s30], $0x4000  }
0x49: {  	s7 =	sshra.s32 s16, $0x2;
	[sflag:s30] =	ssyncset.done @!p1 $0x0  }
0x4a: {  	[sflag:s30] =	ssyncadd.s32 @!p1 $0xFFFFC000;
	s30 =	sadd.s32 $0x180, s7  }
0x4b: {  	[tilespmem:s18], [sflag:$0x4] =	stream.indirect.gather [hbm4b:s1+s11], $0x80, s30, s11, $0xb8;
	[tilespmem:$0x15C00] =	vst v63  }
0x4c: {  	_ =	swait.ge [sflag:s19], $0x4000  }
0x4d: {  	[sflag:s19] =	ssyncset.done $0x0  }
0x4e: {  	s30 =	simm.s32 @!p1 $0xA;
	[sflag:s19] =	ssyncadd.s32 $0xFFFFC000  }
0x4f: {  	[hbm4b:s5+s3] =	stream.linear.scatter [tilespmem:s14], [sflag:$0x6], $0x4000, $0x38;
	[tilespmem:$0x15C00] =	vst v63  }
0x50: {  	_ =	swait.ge @!p1 [sflag:s30], $0x4000  }
0x51: {  	[sflag:s30] =	ssyncset.done @!p1 $0x0  }
0x52: {  	s7 =	sadd.s32 $0x200, s7;
	[sflag:s30] =	ssyncadd.s32 @!p1 $0xFFFFC000  }
0x53: {  	[tilespmem:s20], [sflag:$0x5] =	stream.indirect.gather [hbm4b:s1+s11], $0x80, s7, s11, $0xb8;
	[tilespmem:$0x15C00] =	vst v63  }
0x54: {  	_ =	swait.ge [sflag:s21], $0x4000  }
0x55: {  	[sflag:s21] =	ssyncset.done $0x0  }
0x56: {  	[sflag:s21] =	ssyncadd.s32 $0xFFFFC000  }
0x57: {  	[hbm4b:s4+s3] =	stream.linear.scatter [tilespmem:s15], [sflag:$0x7], $0x4000, $0x38;
	[tilespmem:$0x15C00] =	vst v63  }
0x58: {  	p1 =	seq.s32 s16, $0x5A00;
	_ =	swait.ge [sflag:s22], $0x4000  }
0x59: {  	s7 =	sshra.s32 @!p1 s16, $0x2;
	s16 =	simm.s32 @!p1 $0x1C00;
	[sflag:s22] =	ssyncset.done $0x0  }
0x5a: {  	s8 =	simm.s32 @!p1 $0x80;
	s30 =	sadd.s32 @!p1 $0x280, s7;
	[sflag:s22] =	ssyncadd.s32 $0xFFFFC000  }
0x5b: {  	[tilespmem:s16], [sflag:$0x1] =	stream.indirect.gather @!p1 [hbm4b:s1+s8], $0x80, s30, s8, $0xb8;
	[tilespmem:$0x15C00] =	vst v63  }
0x5c: {  	s30 =	sadd.s32 @!p1 $0x300, s7;
	s7 =	sadd.s32 @!p1 $0x380, s7;
	_ =	swait.ge [sflag:s23], $0x4000  }
0x5d: {  	s16 =	smov.u32 s6;
	[sflag:s23] =	ssyncset.done $0x0  }
0x5e: {  	[sflag:s23] =	ssyncadd.s32 $0xFFFFC000  }
0x5f: {  	[hbm4b:s12+s3] =	stream.linear.scatter [tilespmem:s17], [sflag:$0x8], $0x4000, $0x38;
	[tilespmem:$0x15C00] =	vst v63  }
0x60: {  	_ =	swait.ge [sflag:s24], $0x4000  }
0x61: {  	[sflag:s24] =	ssyncset.done $0x0  }
0x62: {  	s6 =	simm.s32 @!p1 $0x5C00;
	[sflag:s24] =	ssyncadd.s32 $0xFFFFC000  }
0x63: {  	[tilespmem:s6], [sflag:$0x2] =	stream.indirect.gather @!p1 [hbm4b:s1+s8], $0x80, s30, s8, $0xb8;
	[tilespmem:$0x15C00] =	vst v63  }
0x64: {  	_ =	swait.ge [sflag:s25], $0x4000  }
0x65: {  	[sflag:s25] =	ssyncset.done $0x0  }
0x66: {  	[sflag:s25] =	ssyncadd.s32 $0xFFFFC000  }
0x67: {  	[hbm4b:s2+s3] =	stream.linear.scatter [tilespmem:s18], [sflag:$0x9], $0x4000, $0x38;
	[tilespmem:$0x15C00] =	vst v63  }
0x68: {  	_ =	swait.ge [sflag:s26], $0x4000  }
.Ltmp0:
0x69: {  	s2 =	sadd.s32 $0x50000, s2;
	[sflag:s26] =	ssyncset.done $0x0;
	(pc) =	sbr.rel @p0 .LBB2_2-.Ltmp0, $4  }
0x6a: {  	s0 =	sadd.s32 $0x50000, s0;
	s6 =	simm.s32 @!p1 $0x9C00;
	[sflag:s26] =	ssyncadd.s32 $0xFFFFC000  }
0x6b: {  	[tilespmem:s6], [sflag:$0x3] =	stream.indirect.gather @!p1 [hbm4b:s1+s8], $0x80, s7, s8, $0xb8;
	[tilespmem:$0x15C00] =	vst v63  }
0x6c: {  	s5 =	sadd.s32 $0x50000, s5;
	s4 =	sadd.s32 $0x50000, s4;
	_ =	swait.ge [sflag:s28], $0x4000  }
0x6d: {  	s12 =	sadd.s32 $0x50000, s12;
	p1 =	seq.s32 s16, $0x0;
	[sflag:s28] =	ssyncset.done $0x0  }
0x6e: {  	s6 =	simm.s32 @!p1 $0x9;
	[sflag:s28] =	ssyncadd.s32 $0xFFFFC000  }
0x6f: {  	[hbm4b:s9+s3] =	stream.linear.scatter [tilespmem:s20], [sflag:$0xA], $0x4000, $0x38;
	[tilespmem:$0x15C00] =	vst v63  }
0x70: {  	_ =	swait.ge @!p1 [sflag:s6], $0x4000  }
0x71: {  	s7 =	sshra.s32 s16, $0x2;
	[sflag:s6] =	ssyncset.done @!p1 $0x0  }
0x72: {  	s8 =	sadd.s32 $0x180, s7;
	[sflag:s6] =	ssyncadd.s32 @!p1 $0xFFFFC000  }
0x73: {  	[tilespmem:s18], [sflag:$0x4] =	stream.indirect.gather [hbm4b:s1+s11], $0x80, s8, s11, $0xb8;
	[tilespmem:$0x15C00] =	vst v63  }
0x74: {  	_ =	swait.ge [sflag:s19], $0x4000  }
0x75: {  	[sflag:s19] =	ssyncset.done $0x0  }
0x76: {  	[sflag:s19] =	ssyncadd.s32 $0xFFFFC000  }
0x77: {  	[hbm4b:s5+s3] =	stream.linear.scatter [tilespmem:s14], [sflag:$0x6], $0x4000, $0x38;
	[tilespmem:$0x15C00] =	vst v63  }
0x78: {  	s5 =	simm.s32 @!p1 $0xA  }
0x79: {  	_ =	swait.ge @!p1 [sflag:s5], $0x4000  }
0x7a: {  	[sflag:s5] =	ssyncset.done @!p1 $0x0  }
0x7b: {  	s9 =	sadd.s32 $0x200, s7;
	[sflag:s5] =	ssyncadd.s32 @!p1 $0xFFFFC000  }
0x7c: {  	[tilespmem:s20], [sflag:$0x5] =	stream.indirect.gather [hbm4b:s1+s11], $0x80, s9, s11, $0xb8;
	[tilespmem:$0x15C00] =	vst v63  }
0x7d: {  	_ =	swait.ge [sflag:s21], $0x4000  }
0x7e: {  	[sflag:s21] =	ssyncset.done $0x0  }
0x7f: {  	[sflag:s21] =	ssyncadd.s32 $0xFFFFC000  }
0x80: {  	[hbm4b:s4+s3] =	stream.linear.scatter [tilespmem:s15], [sflag:$0x7], $0x4000, $0x38;
	[tilespmem:$0x15C00] =	vst v63  }
0x81: {  	p0 =	seq.s32 s16, $0x5A00;
	_ =	swait.ge [sflag:s22], $0x4000  }
0x82: {  	s7 =	simm.s32 @!p0 $0x80;
	s4 =	sshra.s32 @!p0 s16, $0x2;
	[sflag:s22] =	ssyncset.done $0x0  }
0x83: {  	s5 =	simm.s32 @!p0 $0x1C00;
	s6 =	sadd.s32 @!p0 $0x280, s4;
	[sflag:s22] =	ssyncadd.s32 $0xFFFFC000  }
0x84: {  	[tilespmem:s5], [sflag:$0x1] =	stream.indirect.gather @!p0 [hbm4b:s1+s7], $0x80, s6, s7, $0xb8;
	[tilespmem:$0x15C00] =	vst v63  }
0x85: {  	_ =	swait.ge [sflag:s23], $0x4000  }
0x86: {  	[sflag:s23] =	ssyncset.done $0x0  }
0x87: {  	[sflag:s23] =	ssyncadd.s32 $0xFFFFC000  }
0x88: {  	[hbm4b:s12+s3] =	stream.linear.scatter [tilespmem:s17], [sflag:$0x8], $0x4000, $0x38;
	[tilespmem:$0x15C00] =	vst v63  }
0x89: {  	_ =	swait.ge [sflag:s24], $0x4000  }
0x8a: {  	[sflag:s24] =	ssyncset.done $0x0  }
0x8b: {  	s5 =	sadd.s32 @!p0 $0x300, s4;
	s6 =	simm.s32 @!p0 $0x5C00;
	[sflag:s24] =	ssyncadd.s32 $0xFFFFC000  }
0x8c: {  	[tilespmem:s6], [sflag:$0x2] =	stream.indirect.gather @!p0 [hbm4b:s1+s7], $0x80, s5, s7, $0xb8;
	[tilespmem:$0x15C00] =	vst v63  }
0x8d: {  	_ =	swait.ge [sflag:s25], $0x4000  }
0x8e: {  	[sflag:s25] =	ssyncset.done $0x0  }
0x8f: {  	[sflag:s25] =	ssyncadd.s32 $0xFFFFC000  }
0x90: {  	[hbm4b:s2+s3] =	stream.linear.scatter [tilespmem:s18], [sflag:$0x9], $0x4000, $0x38;
	[tilespmem:$0x15C00] =	vst v63  }
0x91: {  	_ =	swait.ge [sflag:s26], $0x4000  }
0x92: {  	[sflag:s26] =	ssyncset.done $0x0  }
0x93: {  	s2 =	sadd.s32 @!p0 $0x380, s4;
	s4 =	simm.s32 @!p0 $0x9C00;
	[sflag:s26] =	ssyncadd.s32 $0xFFFFC000  }
0x94: {  	[tilespmem:s4], [sflag:$0x3] =	stream.indirect.gather @!p0 [hbm4b:s1+s7], $0x80, s2, s7, $0xb8;
	[tilespmem:$0x15C00] =	vst v63  }
0x95: {  	_ =	swait.ge [sflag:s28], $0x4000  }
0x96: {  	[sflag:s28] =	ssyncset.done $0x0  }
0x97: {  	s13 =	simm.s32 $0x9;
	[sflag:s28] =	ssyncadd.s32 $0xFFFFC000  }
0x98: {  	[hbm4b:s0+s3] =	stream.linear.scatter [tilespmem:s20], [sflag:$0xA], $0x4000, $0x38;
	[tilespmem:$0x15C00] =	vst v63  }
0x99: {  	_ =	swait.ge [sflag:s13], $0x4000  }
0x9a: {  	[sflag:s13] =	ssyncset.done $0x0  }
0x9b: {  	s16 =	simm.s32 $0xA;
	[sflag:s13] =	ssyncadd.s32 $0xFFFFC000  }
0x9c: {  	_ =	swait.ge [sflag:s16], $0x4000  }
0x9d: {  	s31 =	sadd.s32 $0x1, s31;
	s30 =	rddreg [dreg:$0x5]  }
0x9e: {  	p0 =	sne.s32 s31, s30  }
.Ltmp1:
0x9f: {  	_ = 	snop;
	(pc) =	sbr.rel @p0 .LBB2_1-.Ltmp1, $3  }
0xa0: {  	_ =	sdelay $0x1  }
0xa1: {  	[sflag:s16] =	ssyncset.done $0x0  }
0xa2: {  	[sflag:s16] =	ssyncadd.s32 $0xFFFFC000  }
0xa3: {  	_ =	sfence.sel $0x180000  }
0xa4: {  	[bflag:$0x0] =	sbarrier.arrive $0xFFFF  }
0xa5: {  	_ =	strace $0x90000047  }
0xa6: {  	s0 =	stileid.u32;
	[bflag:$0x2] =	sbarrier.arrive $0xFFFF  }
0xa7: {  	p0 =	sne.s32 s0, $0x0;
	s0 =	rddreg [dreg:$0x3]  }
0xa8: {  	s0 =	sadd.s32 @!p0 $0x100000, s0  }
0xa9: {  	[sflag:s0] =	ssyncadd.tile.s32 @!p0 $0x1;
	_ =	shalt  }
.Lfunc_end2:
_tile_overlayer_lowered:
.L_overlay_start_2:
0xaa: {  	(tag) =	ssettag $0x2  }
0xab: {  	s0 =	rddreg [dreg:$0x0];
	s2 =	stileid.u32  }
0xac: {  	s1 =	rddreg [dreg:$0x1];
	p0 =	sne.s32 s2, $0x0  }
0xad: {  	s3 =	rddreg [dreg:$0x2];
	[bflag:$0x3] =	sbarrier.arrive $0xFFFF;
	s2 =	simm.s32 @!p0 $0x1C0B  }
0xae: {  	[timem:s3], [sflag:s2] =	dma.local @!p0 [hbm:s0], s1  }
0xaf: {  	s0 =	simm.s32 @!p0 $0xB  }
0xb0: {  	_ =	swait.ge @!p0 [sflag:s0], s1  }
0xb1: {  	s1 =	ssub.s32 @!p0 $0x0, s1;
	[sflag:s0] =	ssyncset.done @!p0 $0x0  }
0xb2: {  	[sflag:s0] =	ssyncadd.s32 @!p0 s1  }
0xb3: {  	[bflag:$0x3] =	sbarrier.arrive $0xFFFF  }
0xb4: {  	_ =	shalt  }

</sc_bundles>
